<compile_context>
chip_gen: v7x
topology: tpu7x:2x2x1
jax: 0.10.2.dev20260603
libtpu: 0.0.44.dev20260713+nightly
codegen_flags: <defaults>
</compile_context>

<pallas_src>
import jax
import jax.numpy as jnp
from jax import lax
from jax.experimental import pallas as pl
from jax.experimental.pallas import tpu as pltpu
from jax.experimental.pallas import tpu_sc as plsc

_N = 10000
_NP = 10240
_E = 320000
_EP = 327680
_D = 128
_NG = 16
_NC = 2
_NS = 16
_NW = _NC * _NS
_EK = 128
_CPT = _EP // (_NW * _EK)
_RPT = _NP // _NS
_BN = 1024

_mesh = lambda: plsc.VectorSubcoreMesh(core_axis_name="c", subcore_axis_name="s")


def _hist_body(dst_hbm, zero_hbm, cnt_hbm, dst_v, ones_v, shared):
    cid = lax.axis_index("c")
    sid = lax.axis_index("s")
    wid = cid * _NS + sid
    pltpu.sync_copy(dst_hbm.at[pl.ds(wid * _CPT, _CPT)], dst_v)

    def _init(i, c):
        ones_v[i, :] = jnp.ones((16,), jnp.float32)
        return c
    lax.fori_loop(0, _EK, _init, 0)

    @pl.when(sid == 0)
    def _():
        pltpu.sync_copy(zero_hbm, shared)
    plsc.subcore_barrier()

    def _chunk(c, carry):
        pltpu.sync_copy(ones_v, shared.at[dst_v.at[c]], add=True)
        return carry
    lax.fori_loop(0, _CPT, _chunk, 0)
    plsc.subcore_barrier()

    @pl.when(sid == 0)
    def _():
        pltpu.sync_copy(shared, cnt_hbm.at[cid])


def _hist(dst2d):
    k = pl.kernel(
        _hist_body,
        out_type=jax.ShapeDtypeStruct((_NC, _NP, 16), jnp.float32),
        mesh=_mesh(),
        scratch_types=[
            pltpu.VMEM((_CPT, _EK), jnp.int32),
            pltpu.VMEM((_EK, 16), jnp.float32),
            pltpu.VMEM_SHARED((_NP, 16), jnp.float32),
        ],
    )
    return k(dst2d, jnp.zeros((_NP, 16), jnp.float32))


def _scat_body(y_hbm, src_hbm, dst_hbm, zero_hbm, acc_hbm, src_v, dst_v, buf0,
               buf1, acc_sh, sem0, sem1, sems0, sems1):
    cid = lax.axis_index("c")
    sid = lax.axis_index("s")
    wid = cid * _NS + sid

    @pl.when(sid == 0)
    def _():
        pltpu.sync_copy(zero_hbm, acc_sh)
    plsc.subcore_barrier()

    for h in range(2):
        base = wid * _CPT + h * (_CPT // 2)
        pltpu.sync_copy(src_hbm.at[pl.ds(base, _CPT // 2)], src_v)
        pltpu.sync_copy(dst_hbm.at[pl.ds(base, _CPT // 2)], dst_v)
        pltpu.async_copy(y_hbm.at[src_v.at[0]], buf0, sem0)

        def _pair(t, carry):
            c0 = 2 * t
            pltpu.make_async_copy(y_hbm.at[src_v.at[c0]], buf0, sem0).wait()
            pltpu.async_copy(buf0, acc_sh.at[dst_v.at[c0]], sems0, add=True)

            @pl.when(t > 0)
            def _():
                pltpu.make_async_copy(buf1, acc_sh.at[dst_v.at[c0]],
                                      sems1).wait()
            pltpu.async_copy(y_hbm.at[src_v.at[c0 + 1]], buf1, sem1)
            pltpu.make_async_copy(y_hbm.at[src_v.at[c0 + 1]], buf1, sem1).wait()
            pltpu.async_copy(buf1, acc_sh.at[dst_v.at[c0 + 1]], sems1, add=True)

            @pl.when(t < _CPT // 4 - 1)
            def _():
                pltpu.make_async_copy(buf0, acc_sh.at[dst_v.at[c0]],
                                      sems0).wait()
                pltpu.async_copy(y_hbm.at[src_v.at[c0 + 2]], buf0, sem0)
            return carry
        lax.fori_loop(0, _CPT // 4, _pair, 0)
        pltpu.make_async_copy(buf0, acc_sh.at[dst_v.at[0]], sems0).wait()
        pltpu.make_async_copy(buf1, acc_sh.at[dst_v.at[0]], sems1).wait()
    plsc.subcore_barrier()

    @pl.when(sid == 0)
    def _():
        pltpu.sync_copy(acc_sh, acc_hbm.at[cid])


def _scatter(y, src2d, dst2d, zeros_nd):
    k = pl.kernel(
        _scat_body,
        out_type=jax.ShapeDtypeStruct((_NC, _NP, _D), jnp.float32),
        mesh=_mesh(),
        scratch_types=[
            pltpu.VMEM((_CPT // 2, _EK), jnp.int32),
            pltpu.VMEM((_CPT // 2, _EK), jnp.int32),
            pltpu.VMEM((_EK, _D), jnp.float32),
            pltpu.VMEM((_EK, _D), jnp.float32),
            pltpu.VMEM_SHARED((_NP, _D), jnp.float32),
            pltpu.SemaphoreType.DMA,
            pltpu.SemaphoreType.DMA,
            pltpu.SemaphoreType.DMA,
            pltpu.SemaphoreType.DMA,
        ],
    )
    return k(y, src2d, dst2d, zeros_nd)


def _dinv_block(cnt_blk):
    deg = 1.0 + cnt_blk[0, :, 0:1] + cnt_blk[1, :, 0:1]
    return lax.rsqrt(deg)


def _tc1_body(x_ref, w_ref, cnt_ref, y_ref):
    dinv = _dinv_block(cnt_ref[...])
    y_ref[...] = jnp.dot(x_ref[...], w_ref[...],
                         preferred_element_type=jnp.float32) * dinv


def _tc1(x, W1, cnt):
    return pl.pallas_call(
        _tc1_body,
        grid=(_NP // _BN,),
        in_specs=[
            pl.BlockSpec((_BN, _D), lambda i: (i, 0)),
            pl.BlockSpec((_D, _D), lambda i: (0, 0)),
            pl.BlockSpec((_NC, _BN, 16), lambda i: (0, i, 0)),
        ],
        out_specs=pl.BlockSpec((_BN, _D), lambda i: (i, 0)),
        out_shape=jax.ShapeDtypeStruct((_NP, _D), jnp.float32),
    )(x, W1, cnt)


def _tc2_body(acc_ref, y1_ref, cnt_ref, b1_ref, w2_ref, y2_ref):
    dinv = _dinv_block(cnt_ref[...])
    agg = acc_ref[0] + acc_ref[1] + y1_ref[...]
    h = jnp.maximum(agg * dinv + b1_ref[...], 0.0)
    y2_ref[...] = jnp.dot(h, w2_ref[...],
                          preferred_element_type=jnp.float32) * dinv


def _tc2(acc1, y1, cnt, b1, W2):
    return pl.pallas_call(
        _tc2_body,
        grid=(_NP // _BN,),
        in_specs=[
            pl.BlockSpec((_NC, _BN, _D), lambda i: (0, i, 0)),
            pl.BlockSpec((_BN, _D), lambda i: (i, 0)),
            pl.BlockSpec((_NC, _BN, 16), lambda i: (0, i, 0)),
            pl.BlockSpec((1, _D), lambda i: (0, 0)),
            pl.BlockSpec((_D, _D), lambda i: (0, 0)),
        ],
        out_specs=pl.BlockSpec((_BN, _D), lambda i: (i, 0)),
        out_shape=jax.ShapeDtypeStruct((_NP, _D), jnp.float32),
    )(acc1, y1, cnt, b1, W2)


def _tc3_body(acc_ref, y2_ref, cnt_ref, b2_ref, oh_ref, out_ref, cacc):
    i = pl.program_id(0)
    dinv = _dinv_block(cnt_ref[...])
    nod = (acc_ref[0] + acc_ref[1] + y2_ref[...]) * dinv + b2_ref[...]
    oh = oh_ref[...]
    dims = (((0,), (0,)), ((), ()))
    part = lax.dot_general(oh, nod, dims, preferred_element_type=jnp.float32)
    cpart = lax.dot_general(oh, jnp.ones((_BN, _D), jnp.float32), dims,
                            preferred_element_type=jnp.float32)

    @pl.when(i == 0)
    def _():
        out_ref[...] = part
        cacc[...] = cpart

    @pl.when(i > 0)
    def _():
        out_ref[...] += part
        cacc[...] += cpart

    @pl.when(i == _NP // _BN - 1)
    def _():
        out_ref[...] = out_ref[...] / jnp.maximum(cacc[...], 1.0)


def _tc3(acc2, y2, cnt, b2, oh):
    return pl.pallas_call(
        _tc3_body,
        grid=(_NP // _BN,),
        in_specs=[
            pl.BlockSpec((_NC, _BN, _D), lambda i: (0, i, 0)),
            pl.BlockSpec((_BN, _D), lambda i: (i, 0)),
            pl.BlockSpec((_NC, _BN, 16), lambda i: (0, i, 0)),
            pl.BlockSpec((1, _D), lambda i: (0, 0)),
            pl.BlockSpec((_BN, _NG), lambda i: (i, 0)),
        ],
        out_specs=pl.BlockSpec((_NG, _D), lambda i: (0, 0)),
        out_shape=jax.ShapeDtypeStruct((_NG, _D), jnp.float32),
        scratch_shapes=[pltpu.VMEM((_NG, _D), jnp.float32)],
    )(acc2, y2, cnt, b2, oh)


def kernel(x, edge_index, batch, W1, b1, W2, b2):
    ei = edge_index.astype(jnp.int32)
    pad_e = _N + jnp.arange(_EP - _E, dtype=jnp.int32) % (_NP - _N)
    src2d = jnp.concatenate([ei[0], pad_e]).reshape(_NW * _CPT, _EK)
    dst2d = jnp.concatenate([ei[1], pad_e]).reshape(_NW * _CPT, _EK)
    x_p = jnp.pad(x, ((0, _NP - _N), (0, 0)))
    batch_p = jnp.pad(batch.astype(jnp.int32), (0, _NP - _N),
                      constant_values=_NG)
    oh = (batch_p[:, None] == jnp.arange(_NG, dtype=jnp.int32)[None, :])
    oh = oh.astype(jnp.float32)

    zeros_nd = jnp.zeros((_NP, _D), jnp.float32)
    cnt = _hist(dst2d)
    y1 = _tc1(x_p, W1, cnt)
    acc1 = _scatter(y1, src2d, dst2d, zeros_nd)
    y2 = _tc2(acc1, y1, cnt, b1.reshape(1, _D), W2)
    acc2 = _scatter(y2, src2d, dst2d, zeros_nd)
    return _tc3(acc2, y2, cnt, b2.reshape(1, _D), oh)

# --- scband reference (transcript-rebuilt; emitter-appended) ---
"""Pipeline reference for scband-parametric-gcnencoder-47167330844989 (READ-ONLY COPY).

The authoritative reference and input builder live on the scoring server;
editing this copy changes nothing except your own understanding.
"""

import jax, jax.numpy as jnp
import numpy as np

N_NODES = 10000
N_EDGES = 320000
D_IN = 128
D_HID = 128
D_OUT = 128
N_GRAPHS = 16


def setup_inputs(seed: int = 0) -> dict:
    key = jax.random.key(seed)
    k_x, k_e, k_b, k_w1, k_b1, k_w2, k_b2 = jax.random.split(key, 7)
    x = jax.random.normal(k_x, (N_NODES, D_IN), dtype=jnp.float32)
    edge_index = jax.random.randint(k_e, (2, N_EDGES), 0, N_NODES, dtype=jnp.int64)
    batch = jnp.sort(jax.random.randint(k_b, (N_NODES,), 0, N_GRAPHS, dtype=jnp.int64))
    # GCNConv params (Glorot-style scale)
    W1 = jax.random.normal(k_w1, (D_IN, D_HID), dtype=jnp.float32) * (1.0 / np.sqrt(D_IN))
    b1 = jnp.zeros((D_HID,), dtype=jnp.float32)
    W2 = jax.random.normal(k_w2, (D_HID, D_OUT), dtype=jnp.float32) * (1.0 / np.sqrt(D_HID))
    b2 = jnp.zeros((D_OUT,), dtype=jnp.float32)
    return {"x": x, "edge_index": edge_index, "batch": batch, "W1": W1, "b1": b1, "W2": W2, "b2": b2}


def _gcn_conv(x, edge_index, W, b, num_nodes):
    # PyG GCNConv: add self-loops, symmetric normalization D^{-1/2}(A+I)D^{-1/2} X W + b
    loop = jnp.arange(num_nodes, dtype=edge_index.dtype)
    src = jnp.concatenate([edge_index[0], loop])
    dst = jnp.concatenate([edge_index[1], loop])
    xw = x @ W
    deg = jnp.zeros((num_nodes,), dtype=xw.dtype).at[dst].add(1.0)
    deg_inv_sqrt = jnp.where(deg > 0, 1.0 / jnp.sqrt(deg), 0.0)
    norm = deg_inv_sqrt[src] * deg_inv_sqrt[dst]
    msgs = norm[:, None] * jnp.take(xw, src, axis=0)
    out = jnp.zeros((num_nodes, W.shape[1]), dtype=xw.dtype).at[dst].add(msgs)
    return out + b


def _global_mean_pool(x, batch, num_graphs):
    sums = jax.ops.segment_sum(x, batch, num_segments=num_graphs)
    counts = jax.ops.segment_sum(jnp.ones((x.shape[0],), dtype=x.dtype), batch, num_segments=num_graphs)
    counts = jnp.maximum(counts, 1.0)
    return sums / counts[:, None]


def reference(x, edge_index, batch, W1, b1, W2, b2):
    h = _gcn_conv(x, edge_index, W1, b1, N_NODES)
    h = jax.nn.relu(h)
    # dropout is identity in eval mode
    h = _gcn_conv(h, edge_index, W2, b2, N_NODES)
    return _global_mean_pool(h, batch, N_GRAPHS)

if __name__ == "__main__":
    import jax
    _d = setup_inputs()
    print(jax.jit(kernel)(*tuple(_d.values())))

</pallas_src>

<mosaic_0001>
#map = affine_map<(d0, d1) -> (0, 0)>
#map1 = affine_map<(d0, d1) -> (0, 0, 0)>
module attributes {stable_mosaic.version = 14 : i64} {
  func.func @_scat_body(%arg0: i32, %arg1: i32, %arg2: memref<10240x128xf32, #tpu.memory_space<hbm>>, %arg3: memref<2560x128xi32, #tpu.memory_space<hbm>>, %arg4: memref<2560x128xi32, #tpu.memory_space<hbm>>, %arg5: memref<10240x128xf32, #tpu.memory_space<hbm>>, %arg6: memref<2x10240x128xf32, #tpu.memory_space<hbm>>, %arg7: memref<40x128xi32, #tpu.memory_space<vmem>>, %arg8: memref<40x128xi32, #tpu.memory_space<vmem>>, %arg9: memref<128x128xf32, #tpu.memory_space<vmem>>, %arg10: memref<128x128xf32, #tpu.memory_space<vmem>>, %arg11: memref<10240x128xf32, #tpu.memory_space<vmem_shared>>, %arg12: memref<!tpu.dma_semaphore, #tpu.memory_space<semaphore_mem>>, %arg13: memref<!tpu.dma_semaphore, #tpu.memory_space<semaphore_mem>>, %arg14: memref<!tpu.dma_semaphore, #tpu.memory_space<semaphore_mem>>, %arg15: memref<!tpu.dma_semaphore, #tpu.memory_space<semaphore_mem>>) attributes {dimension_semantics = [#tpu.dimension_semantics<core_parallel>, #tpu.dimension_semantics<subcore_parallel>], iteration_bounds = array<i64: 2, 16>, scalar_prefetch = 0 : i64, scratch_operands = 9 : i64, tpu.core_type = #tpu.core_type<sc_vector_subcore>, window_params = [{transform_indices = #map}, {transform_indices = #map}, {transform_indices = #map}, {transform_indices = #map}, {transform_indices = #map1}]} {
    %mul3A = arith.constant 16 : i32
    %mul3A_0 = arith.muli %arg0, %mul3A : i32
    %add3A = arith.addi %mul3A_0, %arg1 : i32
    %eq3A = arith.constant 0 : i32
    %eq3A_1 = arith.cmpi eq, %arg1, %eq3A : i32
    %convert_element_type3A = arith.extui %eq3A_1 : i1 to i32
    %cond3A = arith.constant 0 : i32
    %cond3A_2 = arith.cmpi ne, %convert_element_type3A, %cond3A : i32
    scf.if %cond3A_2 {
      "tpu.region"() ({
        %run_scoped3A = tpu.sem_alloc : memref<!tpu.dma_semaphore, #tpu.memory_space<semaphore_mem>>
        tpu.enqueue_dma source(%arg5 : memref<10240x128xf32, #tpu.memory_space<hbm>>) target(%arg11 : memref<10240x128xf32, #tpu.memory_space<vmem_shared>>) target_semaphore(%run_scoped3A : memref<!tpu.dma_semaphore, #tpu.memory_space<semaphore_mem>>)
        tpu.wait_dma2 semaphore(%run_scoped3A : memref<!tpu.dma_semaphore, #tpu.memory_space<semaphore_mem>>) src(%arg5 : memref<10240x128xf32, #tpu.memory_space<hbm>>) dst(%arg11 : memref<10240x128xf32, #tpu.memory_space<vmem_shared>>)
        tpu.yield
      }) : () -> ()
    } else {
    }
    %barrier3A = arith.constant 0 : index
    tpu.barrier barrier_id(%barrier3A)
    %mul3A_3 = arith.constant 80 : i32
    %mul3A_4 = arith.muli %add3A, %mul3A_3 : i32
    %add3A_5 = arith.constant 0 : i32
    %add3A_6 = arith.addi %mul3A_4, %add3A_5 : i32
    "tpu.region"() ({
      %run_scoped3A = tpu.sem_alloc : memref<!tpu.dma_semaphore, #tpu.memory_space<semaphore_mem>>
      %dma_start3A_68 = arith.constant 0 : i32
      %dma_start3A_69 = tpu.memref_slice %arg3[%add3A_6, %dma_start3A_68] : memref<2560x128xi32, #tpu.memory_space<hbm>> -> memref<40x128xi32, #tpu.memory_space<hbm>>
      %dma_start3A_70 = arith.constant 0 : i32
      %dma_start3A_71 = tpu.memref_slice %arg3[%add3A_6, %dma_start3A_70] : memref<2560x128xi32, #tpu.memory_space<hbm>> -> memref<40x128xi32, #tpu.memory_space<hbm>>
      tpu.enqueue_dma source(%dma_start3A_71 : memref<40x128xi32, #tpu.memory_space<hbm>>) target(%arg7 : memref<40x128xi32, #tpu.memory_space<vmem>>) target_semaphore(%run_scoped3A : memref<!tpu.dma_semaphore, #tpu.memory_space<semaphore_mem>>)
      %dma_wait3A_72 = arith.constant 0 : i32
      %dma_wait3A_73 = tpu.memref_slice %arg3[%add3A_6, %dma_wait3A_72] : memref<2560x128xi32, #tpu.memory_space<hbm>> -> memref<40x128xi32, #tpu.memory_space<hbm>>
      %dma_wait3A_74 = arith.constant 0 : i32
      %dma_wait3A_75 = tpu.memref_slice %arg3[%add3A_6, %dma_wait3A_74] : memref<2560x128xi32, #tpu.memory_space<hbm>> -> memref<40x128xi32, #tpu.memory_space<hbm>>
      tpu.wait_dma2 semaphore(%run_scoped3A : memref<!tpu.dma_semaphore, #tpu.memory_space<semaphore_mem>>) src(%dma_wait3A_75 : memref<40x128xi32, #tpu.memory_space<hbm>>) dst(%arg7 : memref<40x128xi32, #tpu.memory_space<vmem>>)
      tpu.yield
    }) : () -> ()
    "tpu.region"() ({
      %run_scoped3A = tpu.sem_alloc : memref<!tpu.dma_semaphore, #tpu.memory_space<semaphore_mem>>
      %dma_start3A_68 = arith.constant 0 : i32
      %dma_start3A_69 = tpu.memref_slice %arg4[%add3A_6, %dma_start3A_68] : memref<2560x128xi32, #tpu.memory_space<hbm>> -> memref<40x128xi32, #tpu.memory_space<hbm>>
      %dma_start3A_70 = arith.constant 0 : i32
      %dma_start3A_71 = tpu.memref_slice %arg4[%add3A_6, %dma_start3A_70] : memref<2560x128xi32, #tpu.memory_space<hbm>> -> memref<40x128xi32, #tpu.memory_space<hbm>>
      tpu.enqueue_dma source(%dma_start3A_71 : memref<40x128xi32, #tpu.memory_space<hbm>>) target(%arg8 : memref<40x128xi32, #tpu.memory_space<vmem>>) target_semaphore(%run_scoped3A : memref<!tpu.dma_semaphore, #tpu.memory_space<semaphore_mem>>)
      %dma_wait3A_72 = arith.constant 0 : i32
      %dma_wait3A_73 = tpu.memref_slice %arg4[%add3A_6, %dma_wait3A_72] : memref<2560x128xi32, #tpu.memory_space<hbm>> -> memref<40x128xi32, #tpu.memory_space<hbm>>
      %dma_wait3A_74 = arith.constant 0 : i32
      %dma_wait3A_75 = tpu.memref_slice %arg4[%add3A_6, %dma_wait3A_74] : memref<2560x128xi32, #tpu.memory_space<hbm>> -> memref<40x128xi32, #tpu.memory_space<hbm>>
      tpu.wait_dma2 semaphore(%run_scoped3A : memref<!tpu.dma_semaphore, #tpu.memory_space<semaphore_mem>>) src(%dma_wait3A_75 : memref<40x128xi32, #tpu.memory_space<hbm>>) dst(%arg8 : memref<40x128xi32, #tpu.memory_space<vmem>>)
      tpu.yield
    }) : () -> ()
    %dma_start3A = arith.constant 0 : i32
    %dma_start3A_7 = arith.constant 0 : i32
    %dma_start3A_8 = tpu.memref_slice %arg7[%dma_start3A, %dma_start3A_7] : memref<40x128xi32, #tpu.memory_space<vmem>> -> memref<1x128xi32, #tpu.memory_space<vmem>>
    %dma_start3A_9 = tpu.memref_squeeze %dma_start3A_8 : memref<1x128xi32, #tpu.memory_space<vmem>> -> memref<128xi32, #tpu.memory_space<vmem>>
    %dma_start3A_10 = arith.constant 0 : i32
    %dma_start3A_11 = arith.constant 0 : i32
    %dma_start3A_12 = tpu.memref_slice %arg2[%dma_start3A_10, %dma_start3A_11] : memref<10240x128xf32, #tpu.memory_space<hbm>> -> memref<10240x128xf32, #tpu.memory_space<hbm>>
    tpu.enqueue_indirect_dma source(%dma_start3A_12 : memref<10240x128xf32, #tpu.memory_space<hbm>>) target(%arg9 : memref<128x128xf32, #tpu.memory_space<vmem>>) offsets(%dma_start3A_9 : memref<128xi32, #tpu.memory_space<vmem>>) semaphore(%arg12 : memref<!tpu.dma_semaphore, #tpu.memory_space<semaphore_mem>>)
    %scan3A = arith.constant 0 : i32
    %scan3A_13 = arith.constant 0 : i32
    %scan3A_14 = arith.constant 20 : i32
    %scan3A_15 = arith.addi %scan3A_13, %scan3A_14 : i32
    %scan3A_16 = arith.constant 1 : i32
    scf.for %scan3A_68 = %scan3A_13 to %scan3A_15 step %scan3A_16  : i32 {
      %mul3A_69 = arith.constant 2 : i32
      %mul3A_70 = arith.muli %mul3A_69, %scan3A_68 : i32
      %dma_wait3A_71 = arith.constant 0 : i32
      %dma_wait3A_72 = tpu.memref_slice %arg7[%mul3A_70, %dma_wait3A_71] : memref<40x128xi32, #tpu.memory_space<vmem>> -> memref<1x128xi32, #tpu.memory_space<vmem>>
      %dma_wait3A_73 = tpu.memref_squeeze %dma_wait3A_72 : memref<1x128xi32, #tpu.memory_space<vmem>> -> memref<128xi32, #tpu.memory_space<vmem>>
      %dma_wait3A_74 = arith.constant 0 : i32
      %dma_wait3A_75 = arith.constant 0 : i32
      %dma_wait3A_76 = tpu.memref_slice %arg2[%dma_wait3A_74, %dma_wait3A_75] : memref<10240x128xf32, #tpu.memory_space<hbm>> -> memref<10240x128xf32, #tpu.memory_space<hbm>>
      tpu.wait_indirect_dma semaphore(%arg12 : memref<!tpu.dma_semaphore, #tpu.memory_space<semaphore_mem>>) src(%dma_wait3A_76 : memref<10240x128xf32, #tpu.memory_space<hbm>>) dst(%arg9 : memref<128x128xf32, #tpu.memory_space<vmem>>)
      %dma_start3A_77 = arith.constant 0 : i32
      %dma_start3A_78 = tpu.memref_slice %arg8[%mul3A_70, %dma_start3A_77] : memref<40x128xi32, #tpu.memory_space<vmem>> -> memref<1x128xi32, #tpu.memory_space<vmem>>
      %dma_start3A_79 = tpu.memref_squeeze %dma_start3A_78 : memref<1x128xi32, #tpu.memory_space<vmem>> -> memref<128xi32, #tpu.memory_space<vmem>>
      %dma_start3A_80 = arith.constant 0 : i32
      %dma_start3A_81 = arith.constant 0 : i32
      %dma_start3A_82 = tpu.memref_slice %arg11[%dma_start3A_80, %dma_start3A_81] : memref<10240x128xf32, #tpu.memory_space<vmem_shared>> -> memref<10240x128xf32, #tpu.memory_space<vmem_shared>>
      tpu.enqueue_indirect_dma source(%arg9 : memref<128x128xf32, #tpu.memory_space<vmem>>) target(%dma_start3A_82 : memref<10240x128xf32, #tpu.memory_space<vmem_shared>>) offsets(%dma_start3A_79 : memref<128xi32, #tpu.memory_space<vmem>>) semaphore(%arg14 : memref<!tpu.dma_semaphore, #tpu.memory_space<semaphore_mem>>) {add = true}
      %gt3A = arith.constant 0 : i32
      %gt3A_83 = arith.cmpi sgt, %scan3A_68, %gt3A : i32
      %convert_element_type3A_84 = arith.extui %gt3A_83 : i1 to i32
      %cond3A_85 = arith.constant 0 : i32
      %cond3A_86 = arith.cmpi ne, %convert_element_type3A_84, %cond3A_85 : i32
      scf.if %cond3A_86 {
        %dma_wait3A_115 = arith.constant 0 : i32
        %dma_wait3A_116 = tpu.memref_slice %arg8[%mul3A_70, %dma_wait3A_115] : memref<40x128xi32, #tpu.memory_space<vmem>> -> memref<1x128xi32, #tpu.memory_space<vmem>>
        %dma_wait3A_117 = tpu.memref_squeeze %dma_wait3A_116 : memref<1x128xi32, #tpu.memory_space<vmem>> -> memref<128xi32, #tpu.memory_space<vmem>>
        %dma_wait3A_118 = arith.constant 0 : i32
        %dma_wait3A_119 = arith.constant 0 : i32
        %dma_wait3A_120 = tpu.memref_slice %arg11[%dma_wait3A_118, %dma_wait3A_119] : memref<10240x128xf32, #tpu.memory_space<vmem_shared>> -> memref<10240x128xf32, #tpu.memory_space<vmem_shared>>
        tpu.wait_indirect_dma semaphore(%arg15 : memref<!tpu.dma_semaphore, #tpu.memory_space<semaphore_mem>>) src(%arg10 : memref<128x128xf32, #tpu.memory_space<vmem>>) dst(%dma_wait3A_120 : memref<10240x128xf32, #tpu.memory_space<vmem_shared>>)
      } else {
      }
      %add3A_87 = arith.constant 1 : i32
      %add3A_88 = arith.addi %mul3A_70, %add3A_87 : i32
      %dma_start3A_89 = arith.constant 0 : i32
      %dma_start3A_90 = tpu.memref_slice %arg7[%add3A_88, %dma_start3A_89] : memref<40x128xi32, #tpu.memory_space<vmem>> -> memref<1x128xi32, #tpu.memory_space<vmem>>
      %dma_start3A_91 = tpu.memref_squeeze %dma_start3A_90 : memref<1x128xi32, #tpu.memory_space<vmem>> -> memref<128xi32, #tpu.memory_space<vmem>>
      %dma_start3A_92 = arith.constant 0 : i32
      %dma_start3A_93 = arith.constant 0 : i32
      %dma_start3A_94 = tpu.memref_slice %arg2[%dma_start3A_92, %dma_start3A_93] : memref<10240x128xf32, #tpu.memory_space<hbm>> -> memref<10240x128xf32, #tpu.memory_space<hbm>>
      tpu.enqueue_indirect_dma source(%dma_start3A_94 : memref<10240x128xf32, #tpu.memory_space<hbm>>) target(%arg10 : memref<128x128xf32, #tpu.memory_space<vmem>>) offsets(%dma_start3A_91 : memref<128xi32, #tpu.memory_space<vmem>>) semaphore(%arg13 : memref<!tpu.dma_semaphore, #tpu.memory_space<semaphore_mem>>)
      %add3A_95 = arith.constant 1 : i32
      %add3A_96 = arith.addi %mul3A_70, %add3A_95 : i32
      %dma_wait3A_97 = arith.constant 0 : i32
      %dma_wait3A_98 = tpu.memref_slice %arg7[%add3A_96, %dma_wait3A_97] : memref<40x128xi32, #tpu.memory_space<vmem>> -> memref<1x128xi32, #tpu.memory_space<vmem>>
      %dma_wait3A_99 = tpu.memref_squeeze %dma_wait3A_98 : memref<1x128xi32, #tpu.memory_space<vmem>> -> memref<128xi32, #tpu.memory_space<vmem>>
      %dma_wait3A_100 = arith.constant 0 : i32
      %dma_wait3A_101 = arith.constant 0 : i32
      %dma_wait3A_102 = tpu.memref_slice %arg2[%dma_wait3A_100, %dma_wait3A_101] : memref<10240x128xf32, #tpu.memory_space<hbm>> -> memref<10240x128xf32, #tpu.memory_space<hbm>>
      tpu.wait_indirect_dma semaphore(%arg13 : memref<!tpu.dma_semaphore, #tpu.memory_space<semaphore_mem>>) src(%dma_wait3A_102 : memref<10240x128xf32, #tpu.memory_space<hbm>>) dst(%arg10 : memref<128x128xf32, #tpu.memory_space<vmem>>)
      %add3A_103 = arith.constant 1 : i32
      %add3A_104 = arith.addi %mul3A_70, %add3A_103 : i32
      %dma_start3A_105 = arith.constant 0 : i32
      %dma_start3A_106 = tpu.memref_slice %arg8[%add3A_104, %dma_start3A_105] : memref<40x128xi32, #tpu.memory_space<vmem>> -> memref<1x128xi32, #tpu.memory_space<vmem>>
      %dma_start3A_107 = tpu.memref_squeeze %dma_start3A_106 : memref<1x128xi32, #tpu.memory_space<vmem>> -> memref<128xi32, #tpu.memory_space<vmem>>
      %dma_start3A_108 = arith.constant 0 : i32
      %dma_start3A_109 = arith.constant 0 : i32
      %dma_start3A_110 = tpu.memref_slice %arg11[%dma_start3A_108, %dma_start3A_109] : memref<10240x128xf32, #tpu.memory_space<vmem_shared>> -> memref<10240x128xf32, #tpu.memory_space<vmem_shared>>
      tpu.enqueue_indirect_dma source(%arg10 : memref<128x128xf32, #tpu.memory_space<vmem>>) target(%dma_start3A_110 : memref<10240x128xf32, #tpu.memory_space<vmem_shared>>) offsets(%dma_start3A_107 : memref<128xi32, #tpu.memory_space<vmem>>) semaphore(%arg15 : memref<!tpu.dma_semaphore, #tpu.memory_space<semaphore_mem>>) {add = true}
      %lt3A = arith.constant 19 : i32
      %lt3A_111 = arith.cmpi slt, %scan3A_68, %lt3A : i32
      %convert_element_type3A_112 = arith.extui %lt3A_111 : i1 to i32
      %cond3A_113 = arith.constant 0 : i32
      %cond3A_114 = arith.cmpi ne, %convert_element_type3A_112, %cond3A_113 : i32
      scf.if %cond3A_114 {
        %dma_wait3A_115 = arith.constant 0 : i32
        %dma_wait3A_116 = tpu.memref_slice %arg8[%mul3A_70, %dma_wait3A_115] : memref<40x128xi32, #tpu.memory_space<vmem>> -> memref<1x128xi32, #tpu.memory_space<vmem>>
        %dma_wait3A_117 = tpu.memref_squeeze %dma_wait3A_116 : memref<1x128xi32, #tpu.memory_space<vmem>> -> memref<128xi32, #tpu.memory_space<vmem>>
        %dma_wait3A_118 = arith.constant 0 : i32
        %dma_wait3A_119 = arith.constant 0 : i32
        %dma_wait3A_120 = tpu.memref_slice %arg11[%dma_wait3A_118, %dma_wait3A_119] : memref<10240x128xf32, #tpu.memory_space<vmem_shared>> -> memref<10240x128xf32, #tpu.memory_space<vmem_shared>>
        tpu.wait_indirect_dma semaphore(%arg14 : memref<!tpu.dma_semaphore, #tpu.memory_space<semaphore_mem>>) src(%arg9 : memref<128x128xf32, #tpu.memory_space<vmem>>) dst(%dma_wait3A_120 : memref<10240x128xf32, #tpu.memory_space<vmem_shared>>)
        %add3A_121 = arith.constant 2 : i32
        %add3A_122 = arith.addi %mul3A_70, %add3A_121 : i32
        %dma_start3A_123 = arith.constant 0 : i32
        %dma_start3A_124 = tpu.memref_slice %arg7[%add3A_122, %dma_start3A_123] : memref<40x128xi32, #tpu.memory_space<vmem>> -> memref<1x128xi32, #tpu.memory_space<vmem>>
        %dma_start3A_125 = tpu.memref_squeeze %dma_start3A_124 : memref<1x128xi32, #tpu.memory_space<vmem>> -> memref<128xi32, #tpu.memory_space<vmem>>
        %dma_start3A_126 = arith.constant 0 : i32
        %dma_start3A_127 = arith.constant 0 : i32
        %dma_start3A_128 = tpu.memref_slice %arg2[%dma_start3A_126, %dma_start3A_127] : memref<10240x128xf32, #tpu.memory_space<hbm>> -> memref<10240x128xf32, #tpu.memory_space<hbm>>
        tpu.enqueue_indirect_dma source(%dma_start3A_128 : memref<10240x128xf32, #tpu.memory_space<hbm>>) target(%arg9 : memref<128x128xf32, #tpu.memory_space<vmem>>) offsets(%dma_start3A_125 : memref<128xi32, #tpu.memory_space<vmem>>) semaphore(%arg12 : memref<!tpu.dma_semaphore, #tpu.memory_space<semaphore_mem>>)
      } else {
      }
    }
    %scan3A_17 = arith.constant 20 : i32
    %dma_wait3A = arith.constant 0 : i32
    %dma_wait3A_18 = arith.constant 0 : i32
    %dma_wait3A_19 = tpu.memref_slice %arg8[%dma_wait3A, %dma_wait3A_18] : memref<40x128xi32, #tpu.memory_space<vmem>> -> memref<1x128xi32, #tpu.memory_space<vmem>>
    %dma_wait3A_20 = tpu.memref_squeeze %dma_wait3A_19 : memref<1x128xi32, #tpu.memory_space<vmem>> -> memref<128xi32, #tpu.memory_space<vmem>>
    %dma_wait3A_21 = arith.constant 0 : i32
    %dma_wait3A_22 = arith.constant 0 : i32
    %dma_wait3A_23 = tpu.memref_slice %arg11[%dma_wait3A_21, %dma_wait3A_22] : memref<10240x128xf32, #tpu.memory_space<vmem_shared>> -> memref<10240x128xf32, #tpu.memory_space<vmem_shared>>
    tpu.wait_indirect_dma semaphore(%arg14 : memref<!tpu.dma_semaphore, #tpu.memory_space<semaphore_mem>>) src(%arg9 : memref<128x128xf32, #tpu.memory_space<vmem>>) dst(%dma_wait3A_23 : memref<10240x128xf32, #tpu.memory_space<vmem_shared>>)
    %dma_wait3A_24 = arith.constant 0 : i32
    %dma_wait3A_25 = arith.constant 0 : i32
    %dma_wait3A_26 = tpu.memref_slice %arg8[%dma_wait3A_24, %dma_wait3A_25] : memref<40x128xi32, #tpu.memory_space<vmem>> -> memref<1x128xi32, #tpu.memory_space<vmem>>
    %dma_wait3A_27 = tpu.memref_squeeze %dma_wait3A_26 : memref<1x128xi32, #tpu.memory_space<vmem>> -> memref<128xi32, #tpu.memory_space<vmem>>
    %dma_wait3A_28 = arith.constant 0 : i32
    %dma_wait3A_29 = arith.constant 0 : i32
    %dma_wait3A_30 = tpu.memref_slice %arg11[%dma_wait3A_28, %dma_wait3A_29] : memref<10240x128xf32, #tpu.memory_space<vmem_shared>> -> memref<10240x128xf32, #tpu.memory_space<vmem_shared>>
    tpu.wait_indirect_dma semaphore(%arg15 : memref<!tpu.dma_semaphore, #tpu.memory_space<semaphore_mem>>) src(%arg10 : memref<128x128xf32, #tpu.memory_space<vmem>>) dst(%dma_wait3A_30 : memref<10240x128xf32, #tpu.memory_space<vmem_shared>>)
    %mul3A_31 = arith.constant 80 : i32
    %mul3A_32 = arith.muli %add3A, %mul3A_31 : i32
    %add3A_33 = arith.constant 40 : i32
    %add3A_34 = arith.addi %mul3A_32, %add3A_33 : i32
    "tpu.region"() ({
      %run_scoped3A = tpu.sem_alloc : memref<!tpu.dma_semaphore, #tpu.memory_space<semaphore_mem>>
      %dma_start3A_68 = arith.constant 0 : i32
      %dma_start3A_69 = tpu.memref_slice %arg3[%add3A_34, %dma_start3A_68] : memref<2560x128xi32, #tpu.memory_space<hbm>> -> memref<40x128xi32, #tpu.memory_space<hbm>>
      %dma_start3A_70 = arith.constant 0 : i32
      %dma_start3A_71 = tpu.memref_slice %arg3[%add3A_34, %dma_start3A_70] : memref<2560x128xi32, #tpu.memory_space<hbm>> -> memref<40x128xi32, #tpu.memory_space<hbm>>
      tpu.enqueue_dma source(%dma_start3A_71 : memref<40x128xi32, #tpu.memory_space<hbm>>) target(%arg7 : memref<40x128xi32, #tpu.memory_space<vmem>>) target_semaphore(%run_scoped3A : memref<!tpu.dma_semaphore, #tpu.memory_space<semaphore_mem>>)
      %dma_wait3A_72 = arith.constant 0 : i32
      %dma_wait3A_73 = tpu.memref_slice %arg3[%add3A_34, %dma_wait3A_72] : memref<2560x128xi32, #tpu.memory_space<hbm>> -> memref<40x128xi32, #tpu.memory_space<hbm>>
      %dma_wait3A_74 = arith.constant 0 : i32
      %dma_wait3A_75 = tpu.memref_slice %arg3[%add3A_34, %dma_wait3A_74] : memref<2560x128xi32, #tpu.memory_space<hbm>> -> memref<40x128xi32, #tpu.memory_space<hbm>>
      tpu.wait_dma2 semaphore(%run_scoped3A : memref<!tpu.dma_semaphore, #tpu.memory_space<semaphore_mem>>) src(%dma_wait3A_75 : memref<40x128xi32, #tpu.memory_space<hbm>>) dst(%arg7 : memref<40x128xi32, #tpu.memory_space<vmem>>)
      tpu.yield
    }) : () -> ()
    "tpu.region"() ({
      %run_scoped3A = tpu.sem_alloc : memref<!tpu.dma_semaphore, #tpu.memory_space<semaphore_mem>>
      %dma_start3A_68 = arith.constant 0 : i32
      %dma_start3A_69 = tpu.memref_slice %arg4[%add3A_34, %dma_start3A_68] : memref<2560x128xi32, #tpu.memory_space<hbm>> -> memref<40x128xi32, #tpu.memory_space<hbm>>
      %dma_start3A_70 = arith.constant 0 : i32
      %dma_start3A_71 = tpu.memref_slice %arg4[%add3A_34, %dma_start3A_70] : memref<2560x128xi32, #tpu.memory_space<hbm>> -> memref<40x128xi32, #tpu.memory_space<hbm>>
      tpu.enqueue_dma source(%dma_start3A_71 : memref<40x128xi32, #tpu.memory_space<hbm>>) target(%arg8 : memref<40x128xi32, #tpu.memory_space<vmem>>) target_semaphore(%run_scoped3A : memref<!tpu.dma_semaphore, #tpu.memory_space<semaphore_mem>>)
      %dma_wait3A_72 = arith.constant 0 : i32
      %dma_wait3A_73 = tpu.memref_slice %arg4[%add3A_34, %dma_wait3A_72] : memref<2560x128xi32, #tpu.memory_space<hbm>> -> memref<40x128xi32, #tpu.memory_space<hbm>>
      %dma_wait3A_74 = arith.constant 0 : i32
      %dma_wait3A_75 = tpu.memref_slice %arg4[%add3A_34, %dma_wait3A_74] : memref<2560x128xi32, #tpu.memory_space<hbm>> -> memref<40x128xi32, #tpu.memory_space<hbm>>
      tpu.wait_dma2 semaphore(%run_scoped3A : memref<!tpu.dma_semaphore, #tpu.memory_space<semaphore_mem>>) src(%dma_wait3A_75 : memref<40x128xi32, #tpu.memory_space<hbm>>) dst(%arg8 : memref<40x128xi32, #tpu.memory_space<vmem>>)
      tpu.yield
    }) : () -> ()
    %dma_start3A_35 = arith.constant 0 : i32
    %dma_start3A_36 = arith.constant 0 : i32
    %dma_start3A_37 = tpu.memref_slice %arg7[%dma_start3A_35, %dma_start3A_36] : memref<40x128xi32, #tpu.memory_space<vmem>> -> memref<1x128xi32, #tpu.memory_space<vmem>>
    %dma_start3A_38 = tpu.memref_squeeze %dma_start3A_37 : memref<1x128xi32, #tpu.memory_space<vmem>> -> memref<128xi32, #tpu.memory_space<vmem>>
    %dma_start3A_39 = arith.constant 0 : i32
    %dma_start3A_40 = arith.constant 0 : i32
    %dma_start3A_41 = tpu.memref_slice %arg2[%dma_start3A_39, %dma_start3A_40] : memref<10240x128xf32, #tpu.memory_space<hbm>> -> memref<10240x128xf32, #tpu.memory_space<hbm>>
    tpu.enqueue_indirect_dma source(%dma_start3A_41 : memref<10240x128xf32, #tpu.memory_space<hbm>>) target(%arg9 : memref<128x128xf32, #tpu.memory_space<vmem>>) offsets(%dma_start3A_38 : memref<128xi32, #tpu.memory_space<vmem>>) semaphore(%arg12 : memref<!tpu.dma_semaphore, #tpu.memory_space<semaphore_mem>>)
    %scan3A_42 = arith.constant 0 : i32
    %scan3A_43 = arith.constant 0 : i32
    %scan3A_44 = arith.constant 20 : i32
    %scan3A_45 = arith.addi %scan3A_43, %scan3A_44 : i32
    %scan3A_46 = arith.constant 1 : i32
    scf.for %scan3A_68 = %scan3A_43 to %scan3A_45 step %scan3A_46  : i32 {
      %mul3A_69 = arith.constant 2 : i32
      %mul3A_70 = arith.muli %mul3A_69, %scan3A_68 : i32
      %dma_wait3A_71 = arith.constant 0 : i32
      %dma_wait3A_72 = tpu.memref_slice %arg7[%mul3A_70, %dma_wait3A_71] : memref<40x128xi32, #tpu.memory_space<vmem>> -> memref<1x128xi32, #tpu.memory_space<vmem>>
      %dma_wait3A_73 = tpu.memref_squeeze %dma_wait3A_72 : memref<1x128xi32, #tpu.memory_space<vmem>> -> memref<128xi32, #tpu.memory_space<vmem>>
      %dma_wait3A_74 = arith.constant 0 : i32
      %dma_wait3A_75 = arith.constant 0 : i32
      %dma_wait3A_76 = tpu.memref_slice %arg2[%dma_wait3A_74, %dma_wait3A_75] : memref<10240x128xf32, #tpu.memory_space<hbm>> -> memref<10240x128xf32, #tpu.memory_space<hbm>>
      tpu.wait_indirect_dma semaphore(%arg12 : memref<!tpu.dma_semaphore, #tpu.memory_space<semaphore_mem>>) src(%dma_wait3A_76 : memref<10240x128xf32, #tpu.memory_space<hbm>>) dst(%arg9 : memref<128x128xf32, #tpu.memory_space<vmem>>)
      %dma_start3A_77 = arith.constant 0 : i32
      %dma_start3A_78 = tpu.memref_slice %arg8[%mul3A_70, %dma_start3A_77] : memref<40x128xi32, #tpu.memory_space<vmem>> -> memref<1x128xi32, #tpu.memory_space<vmem>>
      %dma_start3A_79 = tpu.memref_squeeze %dma_start3A_78 : memref<1x128xi32, #tpu.memory_space<vmem>> -> memref<128xi32, #tpu.memory_space<vmem>>
      %dma_start3A_80 = arith.constant 0 : i32
      %dma_start3A_81 = arith.constant 0 : i32
      %dma_start3A_82 = tpu.memref_slice %arg11[%dma_start3A_80, %dma_start3A_81] : memref<10240x128xf32, #tpu.memory_space<vmem_shared>> -> memref<10240x128xf32, #tpu.memory_space<vmem_shared>>
      tpu.enqueue_indirect_dma source(%arg9 : memref<128x128xf32, #tpu.memory_space<vmem>>) target(%dma_start3A_82 : memref<10240x128xf32, #tpu.memory_space<vmem_shared>>) offsets(%dma_start3A_79 : memref<128xi32, #tpu.memory_space<vmem>>) semaphore(%arg14 : memref<!tpu.dma_semaphore, #tpu.memory_space<semaphore_mem>>) {add = true}
      %gt3A = arith.constant 0 : i32
      %gt3A_83 = arith.cmpi sgt, %scan3A_68, %gt3A : i32
      %convert_element_type3A_84 = arith.extui %gt3A_83 : i1 to i32
      %cond3A_85 = arith.constant 0 : i32
      %cond3A_86 = arith.cmpi ne, %convert_element_type3A_84, %cond3A_85 : i32
      scf.if %cond3A_86 {
        %dma_wait3A_115 = arith.constant 0 : i32
        %dma_wait3A_116 = tpu.memref_slice %arg8[%mul3A_70, %dma_wait3A_115] : memref<40x128xi32, #tpu.memory_space<vmem>> -> memref<1x128xi32, #tpu.memory_space<vmem>>
        %dma_wait3A_117 = tpu.memref_squeeze %dma_wait3A_116 : memref<1x128xi32, #tpu.memory_space<vmem>> -> memref<128xi32, #tpu.memory_space<vmem>>
        %dma_wait3A_118 = arith.constant 0 : i32
        %dma_wait3A_119 = arith.constant 0 : i32
        %dma_wait3A_120 = tpu.memref_slice %arg11[%dma_wait3A_118, %dma_wait3A_119] : memref<10240x128xf32, #tpu.memory_space<vmem_shared>> -> memref<10240x128xf32, #tpu.memory_space<vmem_shared>>
        tpu.wait_indirect_dma semaphore(%arg15 : memref<!tpu.dma_semaphore, #tpu.memory_space<semaphore_mem>>) src(%arg10 : memref<128x128xf32, #tpu.memory_space<vmem>>) dst(%dma_wait3A_120 : memref<10240x128xf32, #tpu.memory_space<vmem_shared>>)
      } else {
      }
      %add3A_87 = arith.constant 1 : i32
      %add3A_88 = arith.addi %mul3A_70, %add3A_87 : i32
      %dma_start3A_89 = arith.constant 0 : i32
      %dma_start3A_90 = tpu.memref_slice %arg7[%add3A_88, %dma_start3A_89] : memref<40x128xi32, #tpu.memory_space<vmem>> -> memref<1x128xi32, #tpu.memory_space<vmem>>
      %dma_start3A_91 = tpu.memref_squeeze %dma_start3A_90 : memref<1x128xi32, #tpu.memory_space<vmem>> -> memref<128xi32, #tpu.memory_space<vmem>>
      %dma_start3A_92 = arith.constant 0 : i32
      %dma_start3A_93 = arith.constant 0 : i32
      %dma_start3A_94 = tpu.memref_slice %arg2[%dma_start3A_92, %dma_start3A_93] : memref<10240x128xf32, #tpu.memory_space<hbm>> -> memref<10240x128xf32, #tpu.memory_space<hbm>>
      tpu.enqueue_indirect_dma source(%dma_start3A_94 : memref<10240x128xf32, #tpu.memory_space<hbm>>) target(%arg10 : memref<128x128xf32, #tpu.memory_space<vmem>>) offsets(%dma_start3A_91 : memref<128xi32, #tpu.memory_space<vmem>>) semaphore(%arg13 : memref<!tpu.dma_semaphore, #tpu.memory_space<semaphore_mem>>)
      %add3A_95 = arith.constant 1 : i32
      %add3A_96 = arith.addi %mul3A_70, %add3A_95 : i32
      %dma_wait3A_97 = arith.constant 0 : i32
      %dma_wait3A_98 = tpu.memref_slice %arg7[%add3A_96, %dma_wait3A_97] : memref<40x128xi32, #tpu.memory_space<vmem>> -> memref<1x128xi32, #tpu.memory_space<vmem>>
      %dma_wait3A_99 = tpu.memref_squeeze %dma_wait3A_98 : memref<1x128xi32, #tpu.memory_space<vmem>> -> memref<128xi32, #tpu.memory_space<vmem>>
      %dma_wait3A_100 = arith.constant 0 : i32
      %dma_wait3A_101 = arith.constant 0 : i32
      %dma_wait3A_102 = tpu.memref_slice %arg2[%dma_wait3A_100, %dma_wait3A_101] : memref<10240x128xf32, #tpu.memory_space<hbm>> -> memref<10240x128xf32, #tpu.memory_space<hbm>>
      tpu.wait_indirect_dma semaphore(%arg13 : memref<!tpu.dma_semaphore, #tpu.memory_space<semaphore_mem>>) src(%dma_wait3A_102 : memref<10240x128xf32, #tpu.memory_space<hbm>>) dst(%arg10 : memref<128x128xf32, #tpu.memory_space<vmem>>)
      %add3A_103 = arith.constant 1 : i32
      %add3A_104 = arith.addi %mul3A_70, %add3A_103 : i32
      %dma_start3A_105 = arith.constant 0 : i32
      %dma_start3A_106 = tpu.memref_slice %arg8[%add3A_104, %dma_start3A_105] : memref<40x128xi32, #tpu.memory_space<vmem>> -> memref<1x128xi32, #tpu.memory_space<vmem>>
      %dma_start3A_107 = tpu.memref_squeeze %dma_start3A_106 : memref<1x128xi32, #tpu.memory_space<vmem>> -> memref<128xi32, #tpu.memory_space<vmem>>
      %dma_start3A_108 = arith.constant 0 : i32
      %dma_start3A_109 = arith.constant 0 : i32
      %dma_start3A_110 = tpu.memref_slice %arg11[%dma_start3A_108, %dma_start3A_109] : memref<10240x128xf32, #tpu.memory_space<vmem_shared>> -> memref<10240x128xf32, #tpu.memory_space<vmem_shared>>
      tpu.enqueue_indirect_dma source(%arg10 : memref<128x128xf32, #tpu.memory_space<vmem>>) target(%dma_start3A_110 : memref<10240x128xf32, #tpu.memory_space<vmem_shared>>) offsets(%dma_start3A_107 : memref<128xi32, #tpu.memory_space<vmem>>) semaphore(%arg15 : memref<!tpu.dma_semaphore, #tpu.memory_space<semaphore_mem>>) {add = true}
      %lt3A = arith.constant 19 : i32
      %lt3A_111 = arith.cmpi slt, %scan3A_68, %lt3A : i32
      %convert_element_type3A_112 = arith.extui %lt3A_111 : i1 to i32
      %cond3A_113 = arith.constant 0 : i32
      %cond3A_114 = arith.cmpi ne, %convert_element_type3A_112, %cond3A_113 : i32
      scf.if %cond3A_114 {
        %dma_wait3A_115 = arith.constant 0 : i32
        %dma_wait3A_116 = tpu.memref_slice %arg8[%mul3A_70, %dma_wait3A_115] : memref<40x128xi32, #tpu.memory_space<vmem>> -> memref<1x128xi32, #tpu.memory_space<vmem>>
        %dma_wait3A_117 = tpu.memref_squeeze %dma_wait3A_116 : memref<1x128xi32, #tpu.memory_space<vmem>> -> memref<128xi32, #tpu.memory_space<vmem>>
        %dma_wait3A_118 = arith.constant 0 : i32
        %dma_wait3A_119 = arith.constant 0 : i32
        %dma_wait3A_120 = tpu.memref_slice %arg11[%dma_wait3A_118, %dma_wait3A_119] : memref<10240x128xf32, #tpu.memory_space<vmem_shared>> -> memref<10240x128xf32, #tpu.memory_space<vmem_shared>>
        tpu.wait_indirect_dma semaphore(%arg14 : memref<!tpu.dma_semaphore, #tpu.memory_space<semaphore_mem>>) src(%arg9 : memref<128x128xf32, #tpu.memory_space<vmem>>) dst(%dma_wait3A_120 : memref<10240x128xf32, #tpu.memory_space<vmem_shared>>)
        %add3A_121 = arith.constant 2 : i32
        %add3A_122 = arith.addi %mul3A_70, %add3A_121 : i32
        %dma_start3A_123 = arith.constant 0 : i32
        %dma_start3A_124 = tpu.memref_slice %arg7[%add3A_122, %dma_start3A_123] : memref<40x128xi32, #tpu.memory_space<vmem>> -> memref<1x128xi32, #tpu.memory_space<vmem>>
        %dma_start3A_125 = tpu.memref_squeeze %dma_start3A_124 : memref<1x128xi32, #tpu.memory_space<vmem>> -> memref<128xi32, #tpu.memory_space<vmem>>
        %dma_start3A_126 = arith.constant 0 : i32
        %dma_start3A_127 = arith.constant 0 : i32
        %dma_start3A_128 = tpu.memref_slice %arg2[%dma_start3A_126, %dma_start3A_127] : memref<10240x128xf32, #tpu.memory_space<hbm>> -> memref<10240x128xf32, #tpu.memory_space<hbm>>
        tpu.enqueue_indirect_dma source(%dma_start3A_128 : memref<10240x128xf32, #tpu.memory_space<hbm>>) target(%arg9 : memref<128x128xf32, #tpu.memory_space<vmem>>) offsets(%dma_start3A_125 : memref<128xi32, #tpu.memory_space<vmem>>) semaphore(%arg12 : memref<!tpu.dma_semaphore, #tpu.memory_space<semaphore_mem>>)
      } else {
      }
    }
    %scan3A_47 = arith.constant 20 : i32
    %dma_wait3A_48 = arith.constant 0 : i32
    %dma_wait3A_49 = arith.constant 0 : i32
    %dma_wait3A_50 = tpu.memref_slice %arg8[%dma_wait3A_48, %dma_wait3A_49] : memref<40x128xi32, #tpu.memory_space<vmem>> -> memref<1x128xi32, #tpu.memory_space<vmem>>
    %dma_wait3A_51 = tpu.memref_squeeze %dma_wait3A_50 : memref<1x128xi32, #tpu.memory_space<vmem>> -> memref<128xi32, #tpu.memory_space<vmem>>
    %dma_wait3A_52 = arith.constant 0 : i32
    %dma_wait3A_53 = arith.constant 0 : i32
    %dma_wait3A_54 = tpu.memref_slice %arg11[%dma_wait3A_52, %dma_wait3A_53] : memref<10240x128xf32, #tpu.memory_space<vmem_shared>> -> memref<10240x128xf32, #tpu.memory_space<vmem_shared>>
    tpu.wait_indirect_dma semaphore(%arg14 : memref<!tpu.dma_semaphore, #tpu.memory_space<semaphore_mem>>) src(%arg9 : memref<128x128xf32, #tpu.memory_space<vmem>>) dst(%dma_wait3A_54 : memref<10240x128xf32, #tpu.memory_space<vmem_shared>>)
    %dma_wait3A_55 = arith.constant 0 : i32
    %dma_wait3A_56 = arith.constant 0 : i32
    %dma_wait3A_57 = tpu.memref_slice %arg8[%dma_wait3A_55, %dma_wait3A_56] : memref<40x128xi32, #tpu.memory_space<vmem>> -> memref<1x128xi32, #tpu.memory_space<vmem>>
    %dma_wait3A_58 = tpu.memref_squeeze %dma_wait3A_57 : memref<1x128xi32, #tpu.memory_space<vmem>> -> memref<128xi32, #tpu.memory_space<vmem>>
    %dma_wait3A_59 = arith.constant 0 : i32
    %dma_wait3A_60 = arith.constant 0 : i32
    %dma_wait3A_61 = tpu.memref_slice %arg11[%dma_wait3A_59, %dma_wait3A_60] : memref<10240x128xf32, #tpu.memory_space<vmem_shared>> -> memref<10240x128xf32, #tpu.memory_space<vmem_shared>>
    tpu.wait_indirect_dma semaphore(%arg15 : memref<!tpu.dma_semaphore, #tpu.memory_space<semaphore_mem>>) src(%arg10 : memref<128x128xf32, #tpu.memory_space<vmem>>) dst(%dma_wait3A_61 : memref<10240x128xf32, #tpu.memory_space<vmem_shared>>)
    %barrier3A_62 = arith.constant 0 : index
    tpu.barrier barrier_id(%barrier3A_62)
    %eq3A_63 = arith.constant 0 : i32
    %eq3A_64 = arith.cmpi eq, %arg1, %eq3A_63 : i32
    %convert_element_type3A_65 = arith.extui %eq3A_64 : i1 to i32
    %cond3A_66 = arith.constant 0 : i32
    %cond3A_67 = arith.cmpi ne, %convert_element_type3A_65, %cond3A_66 : i32
    scf.if %cond3A_67 {
      "tpu.region"() ({
        %run_scoped3A = tpu.sem_alloc : memref<!tpu.dma_semaphore, #tpu.memory_space<semaphore_mem>>
        %dma_start3A_68 = arith.constant 0 : i32
        %dma_start3A_69 = arith.constant 0 : i32
        %dma_start3A_70 = tpu.memref_slice %arg6[%arg0, %dma_start3A_68, %dma_start3A_69] : memref<2x10240x128xf32, #tpu.memory_space<hbm>> -> memref<1x10240x128xf32, #tpu.memory_space<hbm>>
        %dma_start3A_71 = tpu.memref_squeeze %dma_start3A_70 : memref<1x10240x128xf32, #tpu.memory_space<hbm>> -> memref<10240x128xf32, #tpu.memory_space<hbm>>
        tpu.enqueue_dma source(%arg11 : memref<10240x128xf32, #tpu.memory_space<vmem_shared>>) target(%dma_start3A_71 : memref<10240x128xf32, #tpu.memory_space<hbm>>) target_semaphore(%run_scoped3A : memref<!tpu.dma_semaphore, #tpu.memory_space<semaphore_mem>>)
        %dma_wait3A_72 = arith.constant 0 : i32
        %dma_wait3A_73 = arith.constant 0 : i32
        %dma_wait3A_74 = tpu.memref_slice %arg6[%arg0, %dma_wait3A_72, %dma_wait3A_73] : memref<2x10240x128xf32, #tpu.memory_space<hbm>> -> memref<1x10240x128xf32, #tpu.memory_space<hbm>>
        %dma_wait3A_75 = tpu.memref_squeeze %dma_wait3A_74 : memref<1x10240x128xf32, #tpu.memory_space<hbm>> -> memref<10240x128xf32, #tpu.memory_space<hbm>>
        tpu.wait_dma2 semaphore(%run_scoped3A : memref<!tpu.dma_semaphore, #tpu.memory_space<semaphore_mem>>) src(%arg11 : memref<10240x128xf32, #tpu.memory_space<vmem_shared>>) dst(%dma_wait3A_75 : memref<10240x128xf32, #tpu.memory_space<hbm>>)
        tpu.yield
      }) : () -> ()
    } else {
    }
    return
  }
}

#map = affine_map<(d0, d1) -> (0, 0)>
#map1 = affine_map<(d0, d1) -> (0, 0, 0)>
module attributes {stable_mosaic.version = 14 : i64} {
  func.func @_hist_body(%arg0: i32, %arg1: i32, %arg2: memref<2560x128xi32, #tpu.memory_space<hbm>>, %arg3: memref<10240x16xf32, #tpu.memory_space<hbm>>, %arg4: memref<2x10240x16xf32, #tpu.memory_space<hbm>>, %arg5: memref<80x128xi32, #tpu.memory_space<vmem>>, %arg6: memref<128x16xf32, #tpu.memory_space<vmem>>, %arg7: memref<10240x16xf32, #tpu.memory_space<vmem_shared>>) attributes {dimension_semantics = [#tpu.dimension_semantics<core_parallel>, #tpu.dimension_semantics<subcore_parallel>], iteration_bounds = array<i64: 2, 16>, scalar_prefetch = 0 : i64, scratch_operands = 3 : i64, tpu.core_type = #tpu.core_type<sc_vector_subcore>, window_params = [{transform_indices = #map}, {transform_indices = #map}, {transform_indices = #map1}]} {
    %mul3A = arith.constant 16 : i32
    %mul3A_0 = arith.muli %arg0, %mul3A : i32
    %add3A = arith.addi %mul3A_0, %arg1 : i32
    %mul3A_1 = arith.constant 80 : i32
    %mul3A_2 = arith.muli %add3A, %mul3A_1 : i32
    "tpu.region"() ({
      %run_scoped3A = tpu.sem_alloc : memref<!tpu.dma_semaphore, #tpu.memory_space<semaphore_mem>>
      %dma_start3A = arith.constant 0 : i32
      %dma_start3A_22 = tpu.memref_slice %arg2[%mul3A_2, %dma_start3A] : memref<2560x128xi32, #tpu.memory_space<hbm>> -> memref<80x128xi32, #tpu.memory_space<hbm>>
      %dma_start3A_23 = arith.constant 0 : i32
      %dma_start3A_24 = tpu.memref_slice %arg2[%mul3A_2, %dma_start3A_23] : memref<2560x128xi32, #tpu.memory_space<hbm>> -> memref<80x128xi32, #tpu.memory_space<hbm>>
      tpu.enqueue_dma source(%dma_start3A_24 : memref<80x128xi32, #tpu.memory_space<hbm>>) target(%arg5 : memref<80x128xi32, #tpu.memory_space<vmem>>) target_semaphore(%run_scoped3A : memref<!tpu.dma_semaphore, #tpu.memory_space<semaphore_mem>>)
      %dma_wait3A = arith.constant 0 : i32
      %dma_wait3A_25 = tpu.memref_slice %arg2[%mul3A_2, %dma_wait3A] : memref<2560x128xi32, #tpu.memory_space<hbm>> -> memref<80x128xi32, #tpu.memory_space<hbm>>
      %dma_wait3A_26 = arith.constant 0 : i32
      %dma_wait3A_27 = tpu.memref_slice %arg2[%mul3A_2, %dma_wait3A_26] : memref<2560x128xi32, #tpu.memory_space<hbm>> -> memref<80x128xi32, #tpu.memory_space<hbm>>
      tpu.wait_dma2 semaphore(%run_scoped3A : memref<!tpu.dma_semaphore, #tpu.memory_space<semaphore_mem>>) src(%dma_wait3A_27 : memref<80x128xi32, #tpu.memory_space<hbm>>) dst(%arg5 : memref<80x128xi32, #tpu.memory_space<vmem>>)
      tpu.yield
    }) : () -> ()
    %scan3A = arith.constant 0 : i32
    %scan3A_3 = arith.constant 0 : i32
    %scan3A_4 = arith.constant 128 : i32
    %scan3A_5 = arith.addi %scan3A_3, %scan3A_4 : i32
    %scan3A_6 = arith.constant 1 : i32
    scf.for %scan3A_22 = %scan3A_3 to %scan3A_5 step %scan3A_6  : i32 {
      %broadcast_in_dim3A = arith.constant 1.000000e+00 : f32
      %broadcast_in_dim3A_23 = vector.broadcast %broadcast_in_dim3A : f32 to vector<16xf32>
      %swap3A = arith.index_cast %scan3A_22 : i32 to index
      %swap3A_24 = arith.constant 0 : index
      %swap3A_25 = tpu.vector_load %arg6[%swap3A, %swap3A_24] {strides = array<i32>} : memref<128x16xf32, #tpu.memory_space<vmem>>, vector<1x16xf32>,
      %swap3A_26 = vector.shape_cast %swap3A_25 : vector<1x16xf32> to vector<16xf32>
      %swap3A_27 = vector.shape_cast %broadcast_in_dim3A_23 : vector<16xf32> to vector<1x16xf32>
      tpu.vector_store %arg6[%swap3A, %swap3A_24], %swap3A_27 {strides = array<i32>} : memref<128x16xf32, #tpu.memory_space<vmem>>, vector<1x16xf32>,
    }
    %scan3A_7 = arith.constant 128 : i32
    %eq3A = arith.constant 0 : i32
    %eq3A_8 = arith.cmpi eq, %arg1, %eq3A : i32
    %convert_element_type3A = arith.extui %eq3A_8 : i1 to i32
    %cond3A = arith.constant 0 : i32
    %cond3A_9 = arith.cmpi ne, %convert_element_type3A, %cond3A : i32
    scf.if %cond3A_9 {
      "tpu.region"() ({
        %run_scoped3A = tpu.sem_alloc : memref<!tpu.dma_semaphore, #tpu.memory_space<semaphore_mem>>
        tpu.enqueue_dma source(%arg3 : memref<10240x16xf32, #tpu.memory_space<hbm>>) target(%arg7 : memref<10240x16xf32, #tpu.memory_space<vmem_shared>>) target_semaphore(%run_scoped3A : memref<!tpu.dma_semaphore, #tpu.memory_space<semaphore_mem>>)
        tpu.wait_dma2 semaphore(%run_scoped3A : memref<!tpu.dma_semaphore, #tpu.memory_space<semaphore_mem>>) src(%arg3 : memref<10240x16xf32, #tpu.memory_space<hbm>>) dst(%arg7 : memref<10240x16xf32, #tpu.memory_space<vmem_shared>>)
        tpu.yield
      }) : () -> ()
    } else {
    }
    %barrier3A = arith.constant 0 : index
    tpu.barrier barrier_id(%barrier3A)
    %scan3A_10 = arith.constant 0 : i32
    %scan3A_11 = arith.constant 0 : i32
    %scan3A_12 = arith.constant 80 : i32
    %scan3A_13 = arith.addi %scan3A_11, %scan3A_12 : i32
    %scan3A_14 = arith.constant 1 : i32
    scf.for %scan3A_22 = %scan3A_11 to %scan3A_13 step %scan3A_14  : i32 {
      "tpu.region"() ({
        %run_scoped3A = tpu.sem_alloc : memref<!tpu.dma_semaphore, #tpu.memory_space<semaphore_mem>>
        %dma_start3A = arith.constant 0 : i32
        %dma_start3A_23 = tpu.memref_slice %arg5[%scan3A_22, %dma_start3A] : memref<80x128xi32, #tpu.memory_space<vmem>> -> memref<1x128xi32, #tpu.memory_space<vmem>>
        %dma_start3A_24 = tpu.memref_squeeze %dma_start3A_23 : memref<1x128xi32, #tpu.memory_space<vmem>> -> memref<128xi32, #tpu.memory_space<vmem>>
        %dma_start3A_25 = arith.constant 0 : i32
        %dma_start3A_26 = arith.constant 0 : i32
        %dma_start3A_27 = tpu.memref_slice %arg7[%dma_start3A_25, %dma_start3A_26] : memref<10240x16xf32, #tpu.memory_space<vmem_shared>> -> memref<10240x16xf32, #tpu.memory_space<vmem_shared>>
        tpu.enqueue_indirect_dma source(%arg6 : memref<128x16xf32, #tpu.memory_space<vmem>>) target(%dma_start3A_27 : memref<10240x16xf32, #tpu.memory_space<vmem_shared>>) offsets(%dma_start3A_24 : memref<128xi32, #tpu.memory_space<vmem>>) semaphore(%run_scoped3A : memref<!tpu.dma_semaphore, #tpu.memory_space<semaphore_mem>>) {add = true}
        %dma_wait3A = arith.constant 0 : i32
        %dma_wait3A_28 = tpu.memref_slice %arg5[%scan3A_22, %dma_wait3A] : memref<80x128xi32, #tpu.memory_space<vmem>> -> memref<1x128xi32, #tpu.memory_space<vmem>>
        %dma_wait3A_29 = tpu.memref_squeeze %dma_wait3A_28 : memref<1x128xi32, #tpu.memory_space<vmem>> -> memref<128xi32, #tpu.memory_space<vmem>>
        %dma_wait3A_30 = arith.constant 0 : i32
        %dma_wait3A_31 = arith.constant 0 : i32
        %dma_wait3A_32 = tpu.memref_slice %arg7[%dma_wait3A_30, %dma_wait3A_31] : memref<10240x16xf32, #tpu.memory_space<vmem_shared>> -> memref<10240x16xf32, #tpu.memory_space<vmem_shared>>
        tpu.wait_indirect_dma semaphore(%run_scoped3A : memref<!tpu.dma_semaphore, #tpu.memory_space<semaphore_mem>>) src(%arg6 : memref<128x16xf32, #tpu.memory_space<vmem>>) dst(%dma_wait3A_32 : memref<10240x16xf32, #tpu.memory_space<vmem_shared>>)
        tpu.yield
      }) : () -> ()
    }
    %scan3A_15 = arith.constant 80 : i32
    %barrier3A_16 = arith.constant 0 : index
    tpu.barrier barrier_id(%barrier3A_16)
    %eq3A_17 = arith.constant 0 : i32
    %eq3A_18 = arith.cmpi eq, %arg1, %eq3A_17 : i32
    %convert_element_type3A_19 = arith.extui %eq3A_18 : i1 to i32
    %cond3A_20 = arith.constant 0 : i32
    %cond3A_21 = arith.cmpi ne, %convert_element_type3A_19, %cond3A_20 : i32
    scf.if %cond3A_21 {
      "tpu.region"() ({
        %run_scoped3A = tpu.sem_alloc : memref<!tpu.dma_semaphore, #tpu.memory_space<semaphore_mem>>
        %dma_start3A = arith.constant 0 : i32
        %dma_start3A_22 = arith.constant 0 : i32
        %dma_start3A_23 = tpu.memref_slice %arg4[%arg0, %dma_start3A, %dma_start3A_22] : memref<2x10240x16xf32, #tpu.memory_space<hbm>> -> memref<1x10240x16xf32, #tpu.memory_space<hbm>>
        %dma_start3A_24 = tpu.memref_squeeze %dma_start3A_23 : memref<1x10240x16xf32, #tpu.memory_space<hbm>> -> memref<10240x16xf32, #tpu.memory_space<hbm>>
        tpu.enqueue_dma source(%arg7 : memref<10240x16xf32, #tpu.memory_space<vmem_shared>>) target(%dma_start3A_24 : memref<10240x16xf32, #tpu.memory_space<hbm>>) target_semaphore(%run_scoped3A : memref<!tpu.dma_semaphore, #tpu.memory_space<semaphore_mem>>)
        %dma_wait3A = arith.constant 0 : i32
        %dma_wait3A_25 = arith.constant 0 : i32
        %dma_wait3A_26 = tpu.memref_slice %arg4[%arg0, %dma_wait3A, %dma_wait3A_25] : memref<2x10240x16xf32, #tpu.memory_space<hbm>> -> memref<1x10240x16xf32, #tpu.memory_space<hbm>>
        %dma_wait3A_27 = tpu.memref_squeeze %dma_wait3A_26 : memref<1x10240x16xf32, #tpu.memory_space<hbm>> -> memref<10240x16xf32, #tpu.memory_space<hbm>>
        tpu.wait_dma2 semaphore(%run_scoped3A : memref<!tpu.dma_semaphore, #tpu.memory_space<semaphore_mem>>) src(%arg7 : memref<10240x16xf32, #tpu.memory_space<vmem_shared>>) dst(%dma_wait3A_27 : memref<10240x16xf32, #tpu.memory_space<hbm>>)
        tpu.yield
      }) : () -> ()
    } else {
    }
    return
  }
}

#map = affine_map<(d0, d1) -> (0, 0)>
#map1 = affine_map<(d0, d1) -> (0, 0, 0)>
module attributes {stable_mosaic.version = 14 : i64} {
  func.func @_scat_body(%arg0: i32, %arg1: i32, %arg2: memref<10240x128xf32, #tpu.memory_space<hbm>>, %arg3: memref<2560x128xi32, #tpu.memory_space<hbm>>, %arg4: memref<2560x128xi32, #tpu.memory_space<hbm>>, %arg5: memref<10240x128xf32, #tpu.memory_space<hbm>>, %arg6: memref<2x10240x128xf32, #tpu.memory_space<hbm>>, %arg7: memref<40x128xi32, #tpu.memory_space<vmem>>, %arg8: memref<40x128xi32, #tpu.memory_space<vmem>>, %arg9: memref<128x128xf32, #tpu.memory_space<vmem>>, %arg10: memref<128x128xf32, #tpu.memory_space<vmem>>, %arg11: memref<10240x128xf32, #tpu.memory_space<vmem_shared>>, %arg12: memref<!tpu.dma_semaphore, #tpu.memory_space<semaphore_mem>>, %arg13: memref<!tpu.dma_semaphore, #tpu.memory_space<semaphore_mem>>, %arg14: memref<!tpu.dma_semaphore, #tpu.memory_space<semaphore_mem>>, %arg15: memref<!tpu.dma_semaphore, #tpu.memory_space<semaphore_mem>>) attributes {dimension_semantics = [#tpu.dimension_semantics<core_parallel>, #tpu.dimension_semantics<subcore_parallel>], iteration_bounds = array<i64: 2, 16>, scalar_prefetch = 0 : i64, scratch_operands = 9 : i64, tpu.core_type = #tpu.core_type<sc_vector_subcore>, window_params = [{transform_indices = #map}, {transform_indices = #map}, {transform_indices = #map}, {transform_indices = #map}, {transform_indices = #map1}]} {
    %mul3A = arith.constant 16 : i32
    %mul3A_0 = arith.muli %arg0, %mul3A : i32
    %add3A = arith.addi %mul3A_0, %arg1 : i32
    %eq3A = arith.constant 0 : i32
    %eq3A_1 = arith.cmpi eq, %arg1, %eq3A : i32
    %convert_element_type3A = arith.extui %eq3A_1 : i1 to i32
    %cond3A = arith.constant 0 : i32
    %cond3A_2 = arith.cmpi ne, %convert_element_type3A, %cond3A : i32
    scf.if %cond3A_2 {
      "tpu.region"() ({
        %run_scoped3A = tpu.sem_alloc : memref<!tpu.dma_semaphore, #tpu.memory_space<semaphore_mem>>
        tpu.enqueue_dma source(%arg5 : memref<10240x128xf32, #tpu.memory_space<hbm>>) target(%arg11 : memref<10240x128xf32, #tpu.memory_space<vmem_shared>>) target_semaphore(%run_scoped3A : memref<!tpu.dma_semaphore, #tpu.memory_space<semaphore_mem>>)
        tpu.wait_dma2 semaphore(%run_scoped3A : memref<!tpu.dma_semaphore, #tpu.memory_space<semaphore_mem>>) src(%arg5 : memref<10240x128xf32, #tpu.memory_space<hbm>>) dst(%arg11 : memref<10240x128xf32, #tpu.memory_space<vmem_shared>>)
        tpu.yield
      }) : () -> ()
    } else {
    }
    %barrier3A = arith.constant 0 : index
    tpu.barrier barrier_id(%barrier3A)
    %mul3A_3 = arith.constant 80 : i32
    %mul3A_4 = arith.muli %add3A, %mul3A_3 : i32
    %add3A_5 = arith.constant 0 : i32
    %add3A_6 = arith.addi %mul3A_4, %add3A_5 : i32
    "tpu.region"() ({
      %run_scoped3A = tpu.sem_alloc : memref<!tpu.dma_semaphore, #tpu.memory_space<semaphore_mem>>
      %dma_start3A_68 = arith.constant 0 : i32
      %dma_start3A_69 = tpu.memref_slice %arg3[%add3A_6, %dma_start3A_68] : memref<2560x128xi32, #tpu.memory_space<hbm>> -> memref<40x128xi32, #tpu.memory_space<hbm>>
      %dma_start3A_70 = arith.constant 0 : i32
      %dma_start3A_71 = tpu.memref_slice %arg3[%add3A_6, %dma_start3A_70] : memref<2560x128xi32, #tpu.memory_space<hbm>> -> memref<40x128xi32, #tpu.memory_space<hbm>>
      tpu.enqueue_dma source(%dma_start3A_71 : memref<40x128xi32, #tpu.memory_space<hbm>>) target(%arg7 : memref<40x128xi32, #tpu.memory_space<vmem>>) target_semaphore(%run_scoped3A : memref<!tpu.dma_semaphore, #tpu.memory_space<semaphore_mem>>)
      %dma_wait3A_72 = arith.constant 0 : i32
      %dma_wait3A_73 = tpu.memref_slice %arg3[%add3A_6, %dma_wait3A_72] : memref<2560x128xi32, #tpu.memory_space<hbm>> -> memref<40x128xi32, #tpu.memory_space<hbm>>
      %dma_wait3A_74 = arith.constant 0 : i32
      %dma_wait3A_75 = tpu.memref_slice %arg3[%add3A_6, %dma_wait3A_74] : memref<2560x128xi32, #tpu.memory_space<hbm>> -> memref<40x128xi32, #tpu.memory_space<hbm>>
      tpu.wait_dma2 semaphore(%run_scoped3A : memref<!tpu.dma_semaphore, #tpu.memory_space<semaphore_mem>>) src(%dma_wait3A_75 : memref<40x128xi32, #tpu.memory_space<hbm>>) dst(%arg7 : memref<40x128xi32, #tpu.memory_space<vmem>>)
      tpu.yield
    }) : () -> ()
    "tpu.region"() ({
      %run_scoped3A = tpu.sem_alloc : memref<!tpu.dma_semaphore, #tpu.memory_space<semaphore_mem>>
      %dma_start3A_68 = arith.constant 0 : i32
      %dma_start3A_69 = tpu.memref_slice %arg4[%add3A_6, %dma_start3A_68] : memref<2560x128xi32, #tpu.memory_space<hbm>> -> memref<40x128xi32, #tpu.memory_space<hbm>>
      %dma_start3A_70 = arith.constant 0 : i32
      %dma_start3A_71 = tpu.memref_slice %arg4[%add3A_6, %dma_start3A_70] : memref<2560x128xi32, #tpu.memory_space<hbm>> -> memref<40x128xi32, #tpu.memory_space<hbm>>
      tpu.enqueue_dma source(%dma_start3A_71 : memref<40x128xi32, #tpu.memory_space<hbm>>) target(%arg8 : memref<40x128xi32, #tpu.memory_space<vmem>>) target_semaphore(%run_scoped3A : memref<!tpu.dma_semaphore, #tpu.memory_space<semaphore_mem>>)
      %dma_wait3A_72 = arith.constant 0 : i32
      %dma_wait3A_73 = tpu.memref_slice %arg4[%add3A_6, %dma_wait3A_72] : memref<2560x128xi32, #tpu.memory_space<hbm>> -> memref<40x128xi32, #tpu.memory_space<hbm>>
      %dma_wait3A_74 = arith.constant 0 : i32
      %dma_wait3A_75 = tpu.memref_slice %arg4[%add3A_6, %dma_wait3A_74] : memref<2560x128xi32, #tpu.memory_space<hbm>> -> memref<40x128xi32, #tpu.memory_space<hbm>>
      tpu.wait_dma2 semaphore(%run_scoped3A : memref<!tpu.dma_semaphore, #tpu.memory_space<semaphore_mem>>) src(%dma_wait3A_75 : memref<40x128xi32, #tpu.memory_space<hbm>>) dst(%arg8 : memref<40x128xi32, #tpu.memory_space<vmem>>)
      tpu.yield
    }) : () -> ()
    %dma_start3A = arith.constant 0 : i32
    %dma_start3A_7 = arith.constant 0 : i32
    %dma_start3A_8 = tpu.memref_slice %arg7[%dma_start3A, %dma_start3A_7] : memref<40x128xi32, #tpu.memory_space<vmem>> -> memref<1x128xi32, #tpu.memory_space<vmem>>
    %dma_start3A_9 = tpu.memref_squeeze %dma_start3A_8 : memref<1x128xi32, #tpu.memory_space<vmem>> -> memref<128xi32, #tpu.memory_space<vmem>>
    %dma_start3A_10 = arith.constant 0 : i32
    %dma_start3A_11 = arith.constant 0 : i32
    %dma_start3A_12 = tpu.memref_slice %arg2[%dma_start3A_10, %dma_start3A_11] : memref<10240x128xf32, #tpu.memory_space<hbm>> -> memref<10240x128xf32, #tpu.memory_space<hbm>>
    tpu.enqueue_indirect_dma source(%dma_start3A_12 : memref<10240x128xf32, #tpu.memory_space<hbm>>) target(%arg9 : memref<128x128xf32, #tpu.memory_space<vmem>>) offsets(%dma_start3A_9 : memref<128xi32, #tpu.memory_space<vmem>>) semaphore(%arg12 : memref<!tpu.dma_semaphore, #tpu.memory_space<semaphore_mem>>)
    %scan3A = arith.constant 0 : i32
    %scan3A_13 = arith.constant 0 : i32
    %scan3A_14 = arith.constant 20 : i32
    %scan3A_15 = arith.addi %scan3A_13, %scan3A_14 : i32
    %scan3A_16 = arith.constant 1 : i32
    scf.for %scan3A_68 = %scan3A_13 to %scan3A_15 step %scan3A_16  : i32 {
      %mul3A_69 = arith.constant 2 : i32
      %mul3A_70 = arith.muli %mul3A_69, %scan3A_68 : i32
      %dma_wait3A_71 = arith.constant 0 : i32
      %dma_wait3A_72 = tpu.memref_slice %arg7[%mul3A_70, %dma_wait3A_71] : memref<40x128xi32, #tpu.memory_space<vmem>> -> memref<1x128xi32, #tpu.memory_space<vmem>>
      %dma_wait3A_73 = tpu.memref_squeeze %dma_wait3A_72 : memref<1x128xi32, #tpu.memory_space<vmem>> -> memref<128xi32, #tpu.memory_space<vmem>>
      %dma_wait3A_74 = arith.constant 0 : i32
      %dma_wait3A_75 = arith.constant 0 : i32
      %dma_wait3A_76 = tpu.memref_slice %arg2[%dma_wait3A_74, %dma_wait3A_75] : memref<10240x128xf32, #tpu.memory_space<hbm>> -> memref<10240x128xf32, #tpu.memory_space<hbm>>
      tpu.wait_indirect_dma semaphore(%arg12 : memref<!tpu.dma_semaphore, #tpu.memory_space<semaphore_mem>>) src(%dma_wait3A_76 : memref<10240x128xf32, #tpu.memory_space<hbm>>) dst(%arg9 : memref<128x128xf32, #tpu.memory_space<vmem>>)
      %dma_start3A_77 = arith.constant 0 : i32
      %dma_start3A_78 = tpu.memref_slice %arg8[%mul3A_70, %dma_start3A_77] : memref<40x128xi32, #tpu.memory_space<vmem>> -> memref<1x128xi32, #tpu.memory_space<vmem>>
      %dma_start3A_79 = tpu.memref_squeeze %dma_start3A_78 : memref<1x128xi32, #tpu.memory_space<vmem>> -> memref<128xi32, #tpu.memory_space<vmem>>
      %dma_start3A_80 = arith.constant 0 : i32
      %dma_start3A_81 = arith.constant 0 : i32
      %dma_start3A_82 = tpu.memref_slice %arg11[%dma_start3A_80, %dma_start3A_81] : memref<10240x128xf32, #tpu.memory_space<vmem_shared>> -> memref<10240x128xf32, #tpu.memory_space<vmem_shared>>
      tpu.enqueue_indirect_dma source(%arg9 : memref<128x128xf32, #tpu.memory_space<vmem>>) target(%dma_start3A_82 : memref<10240x128xf32, #tpu.memory_space<vmem_shared>>) offsets(%dma_start3A_79 : memref<128xi32, #tpu.memory_space<vmem>>) semaphore(%arg14 : memref<!tpu.dma_semaphore, #tpu.memory_space<semaphore_mem>>) {add = true}
      %gt3A = arith.constant 0 : i32
      %gt3A_83 = arith.cmpi sgt, %scan3A_68, %gt3A : i32
      %convert_element_type3A_84 = arith.extui %gt3A_83 : i1 to i32
      %cond3A_85 = arith.constant 0 : i32
      %cond3A_86 = arith.cmpi ne, %convert_element_type3A_84, %cond3A_85 : i32
      scf.if %cond3A_86 {
        %dma_wait3A_115 = arith.constant 0 : i32
        %dma_wait3A_116 = tpu.memref_slice %arg8[%mul3A_70, %dma_wait3A_115] : memref<40x128xi32, #tpu.memory_space<vmem>> -> memref<1x128xi32, #tpu.memory_space<vmem>>
        %dma_wait3A_117 = tpu.memref_squeeze %dma_wait3A_116 : memref<1x128xi32, #tpu.memory_space<vmem>> -> memref<128xi32, #tpu.memory_space<vmem>>
        %dma_wait3A_118 = arith.constant 0 : i32
        %dma_wait3A_119 = arith.constant 0 : i32
        %dma_wait3A_120 = tpu.memref_slice %arg11[%dma_wait3A_118, %dma_wait3A_119] : memref<10240x128xf32, #tpu.memory_space<vmem_shared>> -> memref<10240x128xf32, #tpu.memory_space<vmem_shared>>
        tpu.wait_indirect_dma semaphore(%arg15 : memref<!tpu.dma_semaphore, #tpu.memory_space<semaphore_mem>>) src(%arg10 : memref<128x128xf32, #tpu.memory_space<vmem>>) dst(%dma_wait3A_120 : memref<10240x128xf32, #tpu.memory_space<vmem_shared>>)
      } else {
      }
      %add3A_87 = arith.constant 1 : i32
      %add3A_88 = arith.addi %mul3A_70, %add3A_87 : i32
      %dma_start3A_89 = arith.constant 0 : i32
      %dma_start3A_90 = tpu.memref_slice %arg7[%add3A_88, %dma_start3A_89] : memref<40x128xi32, #tpu.memory_space<vmem>> -> memref<1x128xi32, #tpu.memory_space<vmem>>
      %dma_start3A_91 = tpu.memref_squeeze %dma_start3A_90 : memref<1x128xi32, #tpu.memory_space<vmem>> -> memref<128xi32, #tpu.memory_space<vmem>>
      %dma_start3A_92 = arith.constant 0 : i32
      %dma_start3A_93 = arith.constant 0 : i32
      %dma_start3A_94 = tpu.memref_slice %arg2[%dma_start3A_92, %dma_start3A_93] : memref<10240x128xf32, #tpu.memory_space<hbm>> -> memref<10240x128xf32, #tpu.memory_space<hbm>>
      tpu.enqueue_indirect_dma source(%dma_start3A_94 : memref<10240x128xf32, #tpu.memory_space<hbm>>) target(%arg10 : memref<128x128xf32, #tpu.memory_space<vmem>>) offsets(%dma_start3A_91 : memref<128xi32, #tpu.memory_space<vmem>>) semaphore(%arg13 : memref<!tpu.dma_semaphore, #tpu.memory_space<semaphore_mem>>)
      %add3A_95 = arith.constant 1 : i32
      %add3A_96 = arith.addi %mul3A_70, %add3A_95 : i32
      %dma_wait3A_97 = arith.constant 0 : i32
      %dma_wait3A_98 = tpu.memref_slice %arg7[%add3A_96, %dma_wait3A_97] : memref<40x128xi32, #tpu.memory_space<vmem>> -> memref<1x128xi32, #tpu.memory_space<vmem>>
      %dma_wait3A_99 = tpu.memref_squeeze %dma_wait3A_98 : memref<1x128xi32, #tpu.memory_space<vmem>> -> memref<128xi32, #tpu.memory_space<vmem>>
      %dma_wait3A_100 = arith.constant 0 : i32
      %dma_wait3A_101 = arith.constant 0 : i32
      %dma_wait3A_102 = tpu.memref_slice %arg2[%dma_wait3A_100, %dma_wait3A_101] : memref<10240x128xf32, #tpu.memory_space<hbm>> -> memref<10240x128xf32, #tpu.memory_space<hbm>>
      tpu.wait_indirect_dma semaphore(%arg13 : memref<!tpu.dma_semaphore, #tpu.memory_space<semaphore_mem>>) src(%dma_wait3A_102 : memref<10240x128xf32, #tpu.memory_space<hbm>>) dst(%arg10 : memref<128x128xf32, #tpu.memory_space<vmem>>)
      %add3A_103 = arith.constant 1 : i32
      %add3A_104 = arith.addi %mul3A_70, %add3A_103 : i32
      %dma_start3A_105 = arith.constant 0 : i32
      %dma_start3A_106 = tpu.memref_slice %arg8[%add3A_104, %dma_start3A_105] : memref<40x128xi32, #tpu.memory_space<vmem>> -> memref<1x128xi32, #tpu.memory_space<vmem>>
      %dma_start3A_107 = tpu.memref_squeeze %dma_start3A_106 : memref<1x128xi32, #tpu.memory_space<vmem>> -> memref<128xi32, #tpu.memory_space<vmem>>
      %dma_start3A_108 = arith.constant 0 : i32
      %dma_start3A_109 = arith.constant 0 : i32
      %dma_start3A_110 = tpu.memref_slice %arg11[%dma_start3A_108, %dma_start3A_109] : memref<10240x128xf32, #tpu.memory_space<vmem_shared>> -> memref<10240x128xf32, #tpu.memory_space<vmem_shared>>
      tpu.enqueue_indirect_dma source(%arg10 : memref<128x128xf32, #tpu.memory_space<vmem>>) target(%dma_start3A_110 : memref<10240x128xf32, #tpu.memory_space<vmem_shared>>) offsets(%dma_start3A_107 : memref<128xi32, #tpu.memory_space<vmem>>) semaphore(%arg15 : memref<!tpu.dma_semaphore, #tpu.memory_space<semaphore_mem>>) {add = true}
      %lt3A = arith.constant 19 : i32
      %lt3A_111 = arith.cmpi slt, %scan3A_68, %lt3A : i32
      %convert_element_type3A_112 = arith.extui %lt3A_111 : i1 to i32
      %cond3A_113 = arith.constant 0 : i32
      %cond3A_114 = arith.cmpi ne, %convert_element_type3A_112, %cond3A_113 : i32
      scf.if %cond3A_114 {
        %dma_wait3A_115 = arith.constant 0 : i32
        %dma_wait3A_116 = tpu.memref_slice %arg8[%mul3A_70, %dma_wait3A_115] : memref<40x128xi32, #tpu.memory_space<vmem>> -> memref<1x128xi32, #tpu.memory_space<vmem>>
        %dma_wait3A_117 = tpu.memref_squeeze %dma_wait3A_116 : memref<1x128xi32, #tpu.memory_space<vmem>> -> memref<128xi32, #tpu.memory_space<vmem>>
        %dma_wait3A_118 = arith.constant 0 : i32
        %dma_wait3A_119 = arith.constant 0 : i32
        %dma_wait3A_120 = tpu.memref_slice %arg11[%dma_wait3A_118, %dma_wait3A_119] : memref<10240x128xf32, #tpu.memory_space<vmem_shared>> -> memref<10240x128xf32, #tpu.memory_space<vmem_shared>>
        tpu.wait_indirect_dma semaphore(%arg14 : memref<!tpu.dma_semaphore, #tpu.memory_space<semaphore_mem>>) src(%arg9 : memref<128x128xf32, #tpu.memory_space<vmem>>) dst(%dma_wait3A_120 : memref<10240x128xf32, #tpu.memory_space<vmem_shared>>)
        %add3A_121 = arith.constant 2 : i32
        %add3A_122 = arith.addi %mul3A_70, %add3A_121 : i32
        %dma_start3A_123 = arith.constant 0 : i32
        %dma_start3A_124 = tpu.memref_slice %arg7[%add3A_122, %dma_start3A_123] : memref<40x128xi32, #tpu.memory_space<vmem>> -> memref<1x128xi32, #tpu.memory_space<vmem>>
        %dma_start3A_125 = tpu.memref_squeeze %dma_start3A_124 : memref<1x128xi32, #tpu.memory_space<vmem>> -> memref<128xi32, #tpu.memory_space<vmem>>
        %dma_start3A_126 = arith.constant 0 : i32
        %dma_start3A_127 = arith.constant 0 : i32
        %dma_start3A_128 = tpu.memref_slice %arg2[%dma_start3A_126, %dma_start3A_127] : memref<10240x128xf32, #tpu.memory_space<hbm>> -> memref<10240x128xf32, #tpu.memory_space<hbm>>
        tpu.enqueue_indirect_dma source(%dma_start3A_128 : memref<10240x128xf32, #tpu.memory_space<hbm>>) target(%arg9 : memref<128x128xf32, #tpu.memory_space<vmem>>) offsets(%dma_start3A_125 : memref<128xi32, #tpu.memory_space<vmem>>) semaphore(%arg12 : memref<!tpu.dma_semaphore, #tpu.memory_space<semaphore_mem>>)
      } else {
      }
    }
    %scan3A_17 = arith.constant 20 : i32
    %dma_wait3A = arith.constant 0 : i32
    %dma_wait3A_18 = arith.constant 0 : i32
    %dma_wait3A_19 = tpu.memref_slice %arg8[%dma_wait3A, %dma_wait3A_18] : memref<40x128xi32, #tpu.memory_space<vmem>> -> memref<1x128xi32, #tpu.memory_space<vmem>>
    %dma_wait3A_20 = tpu.memref_squeeze %dma_wait3A_19 : memref<1x128xi32, #tpu.memory_space<vmem>> -> memref<128xi32, #tpu.memory_space<vmem>>
    %dma_wait3A_21 = arith.constant 0 : i32
    %dma_wait3A_22 = arith.constant 0 : i32
    %dma_wait3A_23 = tpu.memref_slice %arg11[%dma_wait3A_21, %dma_wait3A_22] : memref<10240x128xf32, #tpu.memory_space<vmem_shared>> -> memref<10240x128xf32, #tpu.memory_space<vmem_shared>>
    tpu.wait_indirect_dma semaphore(%arg14 : memref<!tpu.dma_semaphore, #tpu.memory_space<semaphore_mem>>) src(%arg9 : memref<128x128xf32, #tpu.memory_space<vmem>>) dst(%dma_wait3A_23 : memref<10240x128xf32, #tpu.memory_space<vmem_shared>>)
    %dma_wait3A_24 = arith.constant 0 : i32
    %dma_wait3A_25 = arith.constant 0 : i32
    %dma_wait3A_26 = tpu.memref_slice %arg8[%dma_wait3A_24, %dma_wait3A_25] : memref<40x128xi32, #tpu.memory_space<vmem>> -> memref<1x128xi32, #tpu.memory_space<vmem>>
    %dma_wait3A_27 = tpu.memref_squeeze %dma_wait3A_26 : memref<1x128xi32, #tpu.memory_space<vmem>> -> memref<128xi32, #tpu.memory_space<vmem>>
    %dma_wait3A_28 = arith.constant 0 : i32
    %dma_wait3A_29 = arith.constant 0 : i32
    %dma_wait3A_30 = tpu.memref_slice %arg11[%dma_wait3A_28, %dma_wait3A_29] : memref<10240x128xf32, #tpu.memory_space<vmem_shared>> -> memref<10240x128xf32, #tpu.memory_space<vmem_shared>>
    tpu.wait_indirect_dma semaphore(%arg15 : memref<!tpu.dma_semaphore, #tpu.memory_space<semaphore_mem>>) src(%arg10 : memref<128x128xf32, #tpu.memory_space<vmem>>) dst(%dma_wait3A_30 : memref<10240x128xf32, #tpu.memory_space<vmem_shared>>)
    %mul3A_31 = arith.constant 80 : i32
    %mul3A_32 = arith.muli %add3A, %mul3A_31 : i32
    %add3A_33 = arith.constant 40 : i32
    %add3A_34 = arith.addi %mul3A_32, %add3A_33 : i32
    "tpu.region"() ({
      %run_scoped3A = tpu.sem_alloc : memref<!tpu.dma_semaphore, #tpu.memory_space<semaphore_mem>>
      %dma_start3A_68 = arith.constant 0 : i32
      %dma_start3A_69 = tpu.memref_slice %arg3[%add3A_34, %dma_start3A_68] : memref<2560x128xi32, #tpu.memory_space<hbm>> -> memref<40x128xi32, #tpu.memory_space<hbm>>
      %dma_start3A_70 = arith.constant 0 : i32
      %dma_start3A_71 = tpu.memref_slice %arg3[%add3A_34, %dma_start3A_70] : memref<2560x128xi32, #tpu.memory_space<hbm>> -> memref<40x128xi32, #tpu.memory_space<hbm>>
      tpu.enqueue_dma source(%dma_start3A_71 : memref<40x128xi32, #tpu.memory_space<hbm>>) target(%arg7 : memref<40x128xi32, #tpu.memory_space<vmem>>) target_semaphore(%run_scoped3A : memref<!tpu.dma_semaphore, #tpu.memory_space<semaphore_mem>>)
      %dma_wait3A_72 = arith.constant 0 : i32
      %dma_wait3A_73 = tpu.memref_slice %arg3[%add3A_34, %dma_wait3A_72] : memref<2560x128xi32, #tpu.memory_space<hbm>> -> memref<40x128xi32, #tpu.memory_space<hbm>>
      %dma_wait3A_74 = arith.constant 0 : i32
      %dma_wait3A_75 = tpu.memref_slice %arg3[%add3A_34, %dma_wait3A_74] : memref<2560x128xi32, #tpu.memory_space<hbm>> -> memref<40x128xi32, #tpu.memory_space<hbm>>
      tpu.wait_dma2 semaphore(%run_scoped3A : memref<!tpu.dma_semaphore, #tpu.memory_space<semaphore_mem>>) src(%dma_wait3A_75 : memref<40x128xi32, #tpu.memory_space<hbm>>) dst(%arg7 : memref<40x128xi32, #tpu.memory_space<vmem>>)
      tpu.yield
    }) : () -> ()
    "tpu.region"() ({
      %run_scoped3A = tpu.sem_alloc : memref<!tpu.dma_semaphore, #tpu.memory_space<semaphore_mem>>
      %dma_start3A_68 = arith.constant 0 : i32
      %dma_start3A_69 = tpu.memref_slice %arg4[%add3A_34, %dma_start3A_68] : memref<2560x128xi32, #tpu.memory_space<hbm>> -> memref<40x128xi32, #tpu.memory_space<hbm>>
      %dma_start3A_70 = arith.constant 0 : i32
      %dma_start3A_71 = tpu.memref_slice %arg4[%add3A_34, %dma_start3A_70] : memref<2560x128xi32, #tpu.memory_space<hbm>> -> memref<40x128xi32, #tpu.memory_space<hbm>>
      tpu.enqueue_dma source(%dma_start3A_71 : memref<40x128xi32, #tpu.memory_space<hbm>>) target(%arg8 : memref<40x128xi32, #tpu.memory_space<vmem>>) target_semaphore(%run_scoped3A : memref<!tpu.dma_semaphore, #tpu.memory_space<semaphore_mem>>)
      %dma_wait3A_72 = arith.constant 0 : i32
      %dma_wait3A_73 = tpu.memref_slice %arg4[%add3A_34, %dma_wait3A_72] : memref<2560x128xi32, #tpu.memory_space<hbm>> -> memref<40x128xi32, #tpu.memory_space<hbm>>
      %dma_wait3A_74 = arith.constant 0 : i32
      %dma_wait3A_75 = tpu.memref_slice %arg4[%add3A_34, %dma_wait3A_74] : memref<2560x128xi32, #tpu.memory_space<hbm>> -> memref<40x128xi32, #tpu.memory_space<hbm>>
      tpu.wait_dma2 semaphore(%run_scoped3A : memref<!tpu.dma_semaphore, #tpu.memory_space<semaphore_mem>>) src(%dma_wait3A_75 : memref<40x128xi32, #tpu.memory_space<hbm>>) dst(%arg8 : memref<40x128xi32, #tpu.memory_space<vmem>>)
      tpu.yield
    }) : () -> ()
    %dma_start3A_35 = arith.constant 0 : i32
    %dma_start3A_36 = arith.constant 0 : i32
    %dma_start3A_37 = tpu.memref_slice %arg7[%dma_start3A_35, %dma_start3A_36] : memref<40x128xi32, #tpu.memory_space<vmem>> -> memref<1x128xi32, #tpu.memory_space<vmem>>
    %dma_start3A_38 = tpu.memref_squeeze %dma_start3A_37 : memref<1x128xi32, #tpu.memory_space<vmem>> -> memref<128xi32, #tpu.memory_space<vmem>>
    %dma_start3A_39 = arith.constant 0 : i32
    %dma_start3A_40 = arith.constant 0 : i32
    %dma_start3A_41 = tpu.memref_slice %arg2[%dma_start3A_39, %dma_start3A_40] : memref<10240x128xf32, #tpu.memory_space<hbm>> -> memref<10240x128xf32, #tpu.memory_space<hbm>>
    tpu.enqueue_indirect_dma source(%dma_start3A_41 : memref<10240x128xf32, #tpu.memory_space<hbm>>) target(%arg9 : memref<128x128xf32, #tpu.memory_space<vmem>>) offsets(%dma_start3A_38 : memref<128xi32, #tpu.memory_space<vmem>>) semaphore(%arg12 : memref<!tpu.dma_semaphore, #tpu.memory_space<semaphore_mem>>)
    %scan3A_42 = arith.constant 0 : i32
    %scan3A_43 = arith.constant 0 : i32
    %scan3A_44 = arith.constant 20 : i32
    %scan3A_45 = arith.addi %scan3A_43, %scan3A_44 : i32
    %scan3A_46 = arith.constant 1 : i32
    scf.for %scan3A_68 = %scan3A_43 to %scan3A_45 step %scan3A_46  : i32 {
      %mul3A_69 = arith.constant 2 : i32
      %mul3A_70 = arith.muli %mul3A_69, %scan3A_68 : i32
      %dma_wait3A_71 = arith.constant 0 : i32
      %dma_wait3A_72 = tpu.memref_slice %arg7[%mul3A_70, %dma_wait3A_71] : memref<40x128xi32, #tpu.memory_space<vmem>> -> memref<1x128xi32, #tpu.memory_space<vmem>>
      %dma_wait3A_73 = tpu.memref_squeeze %dma_wait3A_72 : memref<1x128xi32, #tpu.memory_space<vmem>> -> memref<128xi32, #tpu.memory_space<vmem>>
      %dma_wait3A_74 = arith.constant 0 : i32
      %dma_wait3A_75 = arith.constant 0 : i32
      %dma_wait3A_76 = tpu.memref_slice %arg2[%dma_wait3A_74, %dma_wait3A_75] : memref<10240x128xf32, #tpu.memory_space<hbm>> -> memref<10240x128xf32, #tpu.memory_space<hbm>>
      tpu.wait_indirect_dma semaphore(%arg12 : memref<!tpu.dma_semaphore, #tpu.memory_space<semaphore_mem>>) src(%dma_wait3A_76 : memref<10240x128xf32, #tpu.memory_space<hbm>>) dst(%arg9 : memref<128x128xf32, #tpu.memory_space<vmem>>)
      %dma_start3A_77 = arith.constant 0 : i32
      %dma_start3A_78 = tpu.memref_slice %arg8[%mul3A_70, %dma_start3A_77] : memref<40x128xi32, #tpu.memory_space<vmem>> -> memref<1x128xi32, #tpu.memory_space<vmem>>
      %dma_start3A_79 = tpu.memref_squeeze %dma_start3A_78 : memref<1x128xi32, #tpu.memory_space<vmem>> -> memref<128xi32, #tpu.memory_space<vmem>>
      %dma_start3A_80 = arith.constant 0 : i32
      %dma_start3A_81 = arith.constant 0 : i32
      %dma_start3A_82 = tpu.memref_slice %arg11[%dma_start3A_80, %dma_start3A_81] : memref<10240x128xf32, #tpu.memory_space<vmem_shared>> -> memref<10240x128xf32, #tpu.memory_space<vmem_shared>>
      tpu.enqueue_indirect_dma source(%arg9 : memref<128x128xf32, #tpu.memory_space<vmem>>) target(%dma_start3A_82 : memref<10240x128xf32, #tpu.memory_space<vmem_shared>>) offsets(%dma_start3A_79 : memref<128xi32, #tpu.memory_space<vmem>>) semaphore(%arg14 : memref<!tpu.dma_semaphore, #tpu.memory_space<semaphore_mem>>) {add = true}
      %gt3A = arith.constant 0 : i32
      %gt3A_83 = arith.cmpi sgt, %scan3A_68, %gt3A : i32
      %convert_element_type3A_84 = arith.extui %gt3A_83 : i1 to i32
      %cond3A_85 = arith.constant 0 : i32
      %cond3A_86 = arith.cmpi ne, %convert_element_type3A_84, %cond3A_85 : i32
      scf.if %cond3A_86 {
        %dma_wait3A_115 = arith.constant 0 : i32
        %dma_wait3A_116 = tpu.memref_slice %arg8[%mul3A_70, %dma_wait3A_115] : memref<40x128xi32, #tpu.memory_space<vmem>> -> memref<1x128xi32, #tpu.memory_space<vmem>>
        %dma_wait3A_117 = tpu.memref_squeeze %dma_wait3A_116 : memref<1x128xi32, #tpu.memory_space<vmem>> -> memref<128xi32, #tpu.memory_space<vmem>>
        %dma_wait3A_118 = arith.constant 0 : i32
        %dma_wait3A_119 = arith.constant 0 : i32
        %dma_wait3A_120 = tpu.memref_slice %arg11[%dma_wait3A_118, %dma_wait3A_119] : memref<10240x128xf32, #tpu.memory_space<vmem_shared>> -> memref<10240x128xf32, #tpu.memory_space<vmem_shared>>
        tpu.wait_indirect_dma semaphore(%arg15 : memref<!tpu.dma_semaphore, #tpu.memory_space<semaphore_mem>>) src(%arg10 : memref<128x128xf32, #tpu.memory_space<vmem>>) dst(%dma_wait3A_120 : memref<10240x128xf32, #tpu.memory_space<vmem_shared>>)
      } else {
      }
      %add3A_87 = arith.constant 1 : i32
      %add3A_88 = arith.addi %mul3A_70, %add3A_87 : i32
      %dma_start3A_89 = arith.constant 0 : i32
      %dma_start3A_90 = tpu.memref_slice %arg7[%add3A_88, %dma_start3A_89] : memref<40x128xi32, #tpu.memory_space<vmem>> -> memref<1x128xi32, #tpu.memory_space<vmem>>
      %dma_start3A_91 = tpu.memref_squeeze %dma_start3A_90 : memref<1x128xi32, #tpu.memory_space<vmem>> -> memref<128xi32, #tpu.memory_space<vmem>>
      %dma_start3A_92 = arith.constant 0 : i32
      %dma_start3A_93 = arith.constant 0 : i32
      %dma_start3A_94 = tpu.memref_slice %arg2[%dma_start3A_92, %dma_start3A_93] : memref<10240x128xf32, #tpu.memory_space<hbm>> -> memref<10240x128xf32, #tpu.memory_space<hbm>>
      tpu.enqueue_indirect_dma source(%dma_start3A_94 : memref<10240x128xf32, #tpu.memory_space<hbm>>) target(%arg10 : memref<128x128xf32, #tpu.memory_space<vmem>>) offsets(%dma_start3A_91 : memref<128xi32, #tpu.memory_space<vmem>>) semaphore(%arg13 : memref<!tpu.dma_semaphore, #tpu.memory_space<semaphore_mem>>)
      %add3A_95 = arith.constant 1 : i32
      %add3A_96 = arith.addi %mul3A_70, %add3A_95 : i32
      %dma_wait3A_97 = arith.constant 0 : i32
      %dma_wait3A_98 = tpu.memref_slice %arg7[%add3A_96, %dma_wait3A_97] : memref<40x128xi32, #tpu.memory_space<vmem>> -> memref<1x128xi32, #tpu.memory_space<vmem>>
      %dma_wait3A_99 = tpu.memref_squeeze %dma_wait3A_98 : memref<1x128xi32, #tpu.memory_space<vmem>> -> memref<128xi32, #tpu.memory_space<vmem>>
      %dma_wait3A_100 = arith.constant 0 : i32
      %dma_wait3A_101 = arith.constant 0 : i32
      %dma_wait3A_102 = tpu.memref_slice %arg2[%dma_wait3A_100, %dma_wait3A_101] : memref<10240x128xf32, #tpu.memory_space<hbm>> -> memref<10240x128xf32, #tpu.memory_space<hbm>>
      tpu.wait_indirect_dma semaphore(%arg13 : memref<!tpu.dma_semaphore, #tpu.memory_space<semaphore_mem>>) src(%dma_wait3A_102 : memref<10240x128xf32, #tpu.memory_space<hbm>>) dst(%arg10 : memref<128x128xf32, #tpu.memory_space<vmem>>)
      %add3A_103 = arith.constant 1 : i32
      %add3A_104 = arith.addi %mul3A_70, %add3A_103 : i32
      %dma_start3A_105 = arith.constant 0 : i32
      %dma_start3A_106 = tpu.memref_slice %arg8[%add3A_104, %dma_start3A_105] : memref<40x128xi32, #tpu.memory_space<vmem>> -> memref<1x128xi32, #tpu.memory_space<vmem>>
      %dma_start3A_107 = tpu.memref_squeeze %dma_start3A_106 : memref<1x128xi32, #tpu.memory_space<vmem>> -> memref<128xi32, #tpu.memory_space<vmem>>
      %dma_start3A_108 = arith.constant 0 : i32
      %dma_start3A_109 = arith.constant 0 : i32
      %dma_start3A_110 = tpu.memref_slice %arg11[%dma_start3A_108, %dma_start3A_109] : memref<10240x128xf32, #tpu.memory_space<vmem_shared>> -> memref<10240x128xf32, #tpu.memory_space<vmem_shared>>
      tpu.enqueue_indirect_dma source(%arg10 : memref<128x128xf32, #tpu.memory_space<vmem>>) target(%dma_start3A_110 : memref<10240x128xf32, #tpu.memory_space<vmem_shared>>) offsets(%dma_start3A_107 : memref<128xi32, #tpu.memory_space<vmem>>) semaphore(%arg15 : memref<!tpu.dma_semaphore, #tpu.memory_space<semaphore_mem>>) {add = true}
      %lt3A = arith.constant 19 : i32
      %lt3A_111 = arith.cmpi slt, %scan3A_68, %lt3A : i32
      %convert_element_type3A_112 = arith.extui %lt3A_111 : i1 to i32
      %cond3A_113 = arith.constant 0 : i32
      %cond3A_114 = arith.cmpi ne, %convert_element_type3A_112, %cond3A_113 : i32
      scf.if %cond3A_114 {
        %dma_wait3A_115 = arith.constant 0 : i32
        %dma_wait3A_116 = tpu.memref_slice %arg8[%mul3A_70, %dma_wait3A_115] : memref<40x128xi32, #tpu.memory_space<vmem>> -> memref<1x128xi32, #tpu.memory_space<vmem>>
        %dma_wait3A_117 = tpu.memref_squeeze %dma_wait3A_116 : memref<1x128xi32, #tpu.memory_space<vmem>> -> memref<128xi32, #tpu.memory_space<vmem>>
        %dma_wait3A_118 = arith.constant 0 : i32
        %dma_wait3A_119 = arith.constant 0 : i32
        %dma_wait3A_120 = tpu.memref_slice %arg11[%dma_wait3A_118, %dma_wait3A_119] : memref<10240x128xf32, #tpu.memory_space<vmem_shared>> -> memref<10240x128xf32, #tpu.memory_space<vmem_shared>>
        tpu.wait_indirect_dma semaphore(%arg14 : memref<!tpu.dma_semaphore, #tpu.memory_space<semaphore_mem>>) src(%arg9 : memref<128x128xf32, #tpu.memory_space<vmem>>) dst(%dma_wait3A_120 : memref<10240x128xf32, #tpu.memory_space<vmem_shared>>)
        %add3A_121 = arith.constant 2 : i32
        %add3A_122 = arith.addi %mul3A_70, %add3A_121 : i32
        %dma_start3A_123 = arith.constant 0 : i32
        %dma_start3A_124 = tpu.memref_slice %arg7[%add3A_122, %dma_start3A_123] : memref<40x128xi32, #tpu.memory_space<vmem>> -> memref<1x128xi32, #tpu.memory_space<vmem>>
        %dma_start3A_125 = tpu.memref_squeeze %dma_start3A_124 : memref<1x128xi32, #tpu.memory_space<vmem>> -> memref<128xi32, #tpu.memory_space<vmem>>
        %dma_start3A_126 = arith.constant 0 : i32
        %dma_start3A_127 = arith.constant 0 : i32
        %dma_start3A_128 = tpu.memref_slice %arg2[%dma_start3A_126, %dma_start3A_127] : memref<10240x128xf32, #tpu.memory_space<hbm>> -> memref<10240x128xf32, #tpu.memory_space<hbm>>
        tpu.enqueue_indirect_dma source(%dma_start3A_128 : memref<10240x128xf32, #tpu.memory_space<hbm>>) target(%arg9 : memref<128x128xf32, #tpu.memory_space<vmem>>) offsets(%dma_start3A_125 : memref<128xi32, #tpu.memory_space<vmem>>) semaphore(%arg12 : memref<!tpu.dma_semaphore, #tpu.memory_space<semaphore_mem>>)
      } else {
      }
    }
    %scan3A_47 = arith.constant 20 : i32
    %dma_wait3A_48 = arith.constant 0 : i32
    %dma_wait3A_49 = arith.constant 0 : i32
    %dma_wait3A_50 = tpu.memref_slice %arg8[%dma_wait3A_48, %dma_wait3A_49] : memref<40x128xi32, #tpu.memory_space<vmem>> -> memref<1x128xi32, #tpu.memory_space<vmem>>
    %dma_wait3A_51 = tpu.memref_squeeze %dma_wait3A_50 : memref<1x128xi32, #tpu.memory_space<vmem>> -> memref<128xi32, #tpu.memory_space<vmem>>
    %dma_wait3A_52 = arith.constant 0 : i32
    %dma_wait3A_53 = arith.constant 0 : i32
    %dma_wait3A_54 = tpu.memref_slice %arg11[%dma_wait3A_52, %dma_wait3A_53] : memref<10240x128xf32, #tpu.memory_space<vmem_shared>> -> memref<10240x128xf32, #tpu.memory_space<vmem_shared>>
    tpu.wait_indirect_dma semaphore(%arg14 : memref<!tpu.dma_semaphore, #tpu.memory_space<semaphore_mem>>) src(%arg9 : memref<128x128xf32, #tpu.memory_space<vmem>>) dst(%dma_wait3A_54 : memref<10240x128xf32, #tpu.memory_space<vmem_shared>>)
    %dma_wait3A_55 = arith.constant 0 : i32
    %dma_wait3A_56 = arith.constant 0 : i32
    %dma_wait3A_57 = tpu.memref_slice %arg8[%dma_wait3A_55, %dma_wait3A_56] : memref<40x128xi32, #tpu.memory_space<vmem>> -> memref<1x128xi32, #tpu.memory_space<vmem>>
    %dma_wait3A_58 = tpu.memref_squeeze %dma_wait3A_57 : memref<1x128xi32, #tpu.memory_space<vmem>> -> memref<128xi32, #tpu.memory_space<vmem>>
    %dma_wait3A_59 = arith.constant 0 : i32
    %dma_wait3A_60 = arith.constant 0 : i32
    %dma_wait3A_61 = tpu.memref_slice %arg11[%dma_wait3A_59, %dma_wait3A_60] : memref<10240x128xf32, #tpu.memory_space<vmem_shared>> -> memref<10240x128xf32, #tpu.memory_space<vmem_shared>>
    tpu.wait_indirect_dma semaphore(%arg15 : memref<!tpu.dma_semaphore, #tpu.memory_space<semaphore_mem>>) src(%arg10 : memref<128x128xf32, #tpu.memory_space<vmem>>) dst(%dma_wait3A_61 : memref<10240x128xf32, #tpu.memory_space<vmem_shared>>)
    %barrier3A_62 = arith.constant 0 : index
    tpu.barrier barrier_id(%barrier3A_62)
    %eq3A_63 = arith.constant 0 : i32
    %eq3A_64 = arith.cmpi eq, %arg1, %eq3A_63 : i32
    %convert_element_type3A_65 = arith.extui %eq3A_64 : i1 to i32
    %cond3A_66 = arith.constant 0 : i32
    %cond3A_67 = arith.cmpi ne, %convert_element_type3A_65, %cond3A_66 : i32
    scf.if %cond3A_67 {
      "tpu.region"() ({
        %run_scoped3A = tpu.sem_alloc : memref<!tpu.dma_semaphore, #tpu.memory_space<semaphore_mem>>
        %dma_start3A_68 = arith.constant 0 : i32
        %dma_start3A_69 = arith.constant 0 : i32
        %dma_start3A_70 = tpu.memref_slice %arg6[%arg0, %dma_start3A_68, %dma_start3A_69] : memref<2x10240x128xf32, #tpu.memory_space<hbm>> -> memref<1x10240x128xf32, #tpu.memory_space<hbm>>
        %dma_start3A_71 = tpu.memref_squeeze %dma_start3A_70 : memref<1x10240x128xf32, #tpu.memory_space<hbm>> -> memref<10240x128xf32, #tpu.memory_space<hbm>>
        tpu.enqueue_dma source(%arg11 : memref<10240x128xf32, #tpu.memory_space<vmem_shared>>) target(%dma_start3A_71 : memref<10240x128xf32, #tpu.memory_space<hbm>>) target_semaphore(%run_scoped3A : memref<!tpu.dma_semaphore, #tpu.memory_space<semaphore_mem>>)
        %dma_wait3A_72 = arith.constant 0 : i32
        %dma_wait3A_73 = arith.constant 0 : i32
        %dma_wait3A_74 = tpu.memref_slice %arg6[%arg0, %dma_wait3A_72, %dma_wait3A_73] : memref<2x10240x128xf32, #tpu.memory_space<hbm>> -> memref<1x10240x128xf32, #tpu.memory_space<hbm>>
        %dma_wait3A_75 = tpu.memref_squeeze %dma_wait3A_74 : memref<1x10240x128xf32, #tpu.memory_space<hbm>> -> memref<10240x128xf32, #tpu.memory_space<hbm>>
        tpu.wait_dma2 semaphore(%run_scoped3A : memref<!tpu.dma_semaphore, #tpu.memory_space<semaphore_mem>>) src(%arg11 : memref<10240x128xf32, #tpu.memory_space<vmem_shared>>) dst(%dma_wait3A_75 : memref<10240x128xf32, #tpu.memory_space<hbm>>)
        tpu.yield
      }) : () -> ()
    } else {
    }
    return
  }
}

module attributes {stable_mosaic.version = 14 : i64} {
  func.func @_tc1_body(%arg0: i32, %arg1: memref<1024x128xf32, #tpu.memory_space<vmem>>, %arg2: memref<128x128xf32, #tpu.memory_space<vmem>>, %arg3: memref<2x1024x16xf32, #tpu.memory_space<vmem>>, %arg4: memref<1024x128xf32, #tpu.memory_space<vmem>>) attributes {dimension_semantics = [#tpu.dimension_semantics<arbitrary>], iteration_bounds = array<i64: 10>, scalar_prefetch = 0 : i64, scratch_operands = 0 : i64, tpu.core_type = #tpu.core_type<tc>, window_params = [{transform_indices = @transform_0, window_bounds = array<i64: 1024, 128>}, {pipeline_mode = #tpu.pipeline_mode<synchronous>, transform_indices = @transform_1, window_bounds = array<i64: 128, 128>}, {transform_indices = @transform_2, window_bounds = array<i64: 2, 1024, 16>}, {transform_indices = @transform_3, window_bounds = array<i64: 1024, 128>}]} {
    %get3A = arith.constant 0 : index
    %get3A_0 = arith.constant 0 : index
    %get3A_1 = arith.constant 0 : index
    %get3A_2 = vector.load %arg3[%get3A, %get3A_0, %get3A_1] : memref<2x1024x16xf32, #tpu.memory_space<vmem>>, vector<2x1024x16xf32>
    %slice3A = vector.extract_strided_slice %get3A_2 {offsets = [0, 0, 0], sizes = [1, 1024, 1], strides = [1, 1, 1]} : vector<2x1024x16xf32> to vector<1x1024x1xf32>
    %squeeze3A = vector.shape_cast %slice3A : vector<1x1024x1xf32> to vector<1024x1xf32>
    %add3A = arith.constant 1.000000e+00 : f32
    %add3A_3 = vector.broadcast %add3A : f32 to vector<1024x1xf32>
    %add3A_4 = arith.addf %add3A_3, %squeeze3A : vector<1024x1xf32>
    %slice3A_5 = vector.extract_strided_slice %get3A_2 {offsets = [1, 0, 0], sizes = [1, 1024, 1], strides = [1, 1, 1]} : vector<2x1024x16xf32> to vector<1x1024x1xf32>
    %squeeze3A_6 = vector.shape_cast %slice3A_5 : vector<1x1024x1xf32> to vector<1024x1xf32>
    %add3A_7 = arith.addf %add3A_4, %squeeze3A_6 : vector<1024x1xf32>
    %rsqrt3A = math.rsqrt %add3A_7 : vector<1024x1xf32>
    %get3A_8 = arith.constant 0 : index
    %get3A_9 = arith.constant 0 : index
    %get3A_10 = vector.load %arg1[%get3A_8, %get3A_9] : memref<1024x128xf32, #tpu.memory_space<vmem>>, vector<1024x128xf32>
    %get3A_11 = arith.constant 0 : index
    %get3A_12 = arith.constant 0 : index
    %get3A_13 = vector.load %arg2[%get3A_11, %get3A_12] : memref<128x128xf32, #tpu.memory_space<vmem>>, vector<128x128xf32>
    %dot_general3A = arith.constant dense<0.000000e+00> : vector<1024x128xf32>
    %dot_general3A_14 = tpu.matmul %get3A_10, %get3A_13, %dot_general3A {dimension_numbers = #tpu.dot_dimension_numbers<[1], [0], [0], [1], [0, 0, 1, 1], [], []>, transpose_lhs_hint = false} : vector<1024x128xf32>, vector<128x128xf32>, vector<1024x128xf32> -> vector<1024x128xf32>
    %mul3A = vector.broadcast %rsqrt3A : vector<1024x1xf32> to vector<1024x128xf32>
    %mul3A_15 = arith.mulf %dot_general3A_14, %mul3A : vector<1024x128xf32>
    %swap3A = arith.constant 0 : index
    %swap3A_16 = arith.constant 0 : index
    %swap3A_17 = vector.load %arg4[%swap3A, %swap3A_16] : memref<1024x128xf32, #tpu.memory_space<vmem>>, vector<1024x128xf32>
    tpu.vector_store %arg4[%swap3A, %swap3A_16], %mul3A_15 {strides = array<i32>} : memref<1024x128xf32, #tpu.memory_space<vmem>>, vector<1024x128xf32>,
    return
  }
  func.func @transform_0(%arg0: i32) -> (i32, i32) {
    %c0_i32 = arith.constant 0 : i32
    %c0_i32_0 = arith.constant 0 : i32
    return %arg0, %c0_i32 : i32, i32
  }
  func.func @transform_1(%arg0: i32) -> (i32, i32) {
    %c0_i32 = arith.constant 0 : i32
    %c0_i32_0 = arith.constant 0 : i32
    %c0_i32_1 = arith.constant 0 : i32
    return %c0_i32, %c0_i32_0 : i32, i32
  }
  func.func @transform_2(%arg0: i32) -> (i32, i32, i32) {
    %c0_i32 = arith.constant 0 : i32
    %c0_i32_0 = arith.constant 0 : i32
    %c0_i32_1 = arith.constant 0 : i32
    return %c0_i32, %arg0, %c0_i32_0 : i32, i32, i32
  }
  func.func @transform_3(%arg0: i32) -> (i32, i32) {
    %c0_i32 = arith.constant 0 : i32
    %c0_i32_0 = arith.constant 0 : i32
    return %arg0, %c0_i32 : i32, i32
  }
}

module attributes {stable_mosaic.version = 14 : i64} {
  func.func @_tc2_body(%arg0: i32, %arg1: memref<2x1024x128xf32, #tpu.memory_space<vmem>>, %arg2: memref<1024x128xf32, #tpu.memory_space<vmem>>, %arg3: memref<2x1024x16xf32, #tpu.memory_space<vmem>>, %arg4: memref<1x128xf32, #tpu.memory_space<vmem>>, %arg5: memref<128x128xf32, #tpu.memory_space<vmem>>, %arg6: memref<1024x128xf32, #tpu.memory_space<vmem>>) attributes {dimension_semantics = [#tpu.dimension_semantics<arbitrary>], iteration_bounds = array<i64: 10>, scalar_prefetch = 0 : i64, scratch_operands = 0 : i64, tpu.core_type = #tpu.core_type<tc>, window_params = [{transform_indices = @transform_0, window_bounds = array<i64: 2, 1024, 128>}, {transform_indices = @transform_1, window_bounds = array<i64: 1024, 128>}, {transform_indices = @transform_2, window_bounds = array<i64: 2, 1024, 16>}, {pipeline_mode = #tpu.pipeline_mode<synchronous>, transform_indices = @transform_3, window_bounds = array<i64: 1, 128>}, {pipeline_mode = #tpu.pipeline_mode<synchronous>, transform_indices = @transform_4, window_bounds = array<i64: 128, 128>}, {transform_indices = @transform_5, window_bounds = array<i64: 1024, 128>}]} {
    %get3A = arith.constant 0 : index
    %get3A_0 = arith.constant 0 : index
    %get3A_1 = arith.constant 0 : index
    %get3A_2 = vector.load %arg3[%get3A, %get3A_0, %get3A_1] : memref<2x1024x16xf32, #tpu.memory_space<vmem>>, vector<2x1024x16xf32>
    %slice3A = vector.extract_strided_slice %get3A_2 {offsets = [0, 0, 0], sizes = [1, 1024, 1], strides = [1, 1, 1]} : vector<2x1024x16xf32> to vector<1x1024x1xf32>
    %squeeze3A = vector.shape_cast %slice3A : vector<1x1024x1xf32> to vector<1024x1xf32>
    %add3A = arith.constant 1.000000e+00 : f32
    %add3A_3 = vector.broadcast %add3A : f32 to vector<1024x1xf32>
    %add3A_4 = arith.addf %add3A_3, %squeeze3A : vector<1024x1xf32>
    %slice3A_5 = vector.extract_strided_slice %get3A_2 {offsets = [1, 0, 0], sizes = [1, 1024, 1], strides = [1, 1, 1]} : vector<2x1024x16xf32> to vector<1x1024x1xf32>
    %squeeze3A_6 = vector.shape_cast %slice3A_5 : vector<1x1024x1xf32> to vector<1024x1xf32>
    %add3A_7 = arith.addf %add3A_4, %squeeze3A_6 : vector<1024x1xf32>
    %rsqrt3A = math.rsqrt %add3A_7 : vector<1024x1xf32>
    %get3A_8 = arith.constant 0 : index
    %get3A_9 = arith.constant 0 : index
    %get3A_10 = arith.constant 0 : index
    %get3A_11 = vector.load %arg1[%get3A_8, %get3A_9, %get3A_10] : memref<2x1024x128xf32, #tpu.memory_space<vmem>>, vector<1x1024x128xf32>
    %get3A_12 = vector.shape_cast %get3A_11 : vector<1x1024x128xf32> to vector<1024x128xf32>
    %get3A_13 = arith.constant 1 : index
    %get3A_14 = arith.constant 0 : index
    %get3A_15 = arith.constant 0 : index
    %get3A_16 = vector.load %arg1[%get3A_13, %get3A_14, %get3A_15] : memref<2x1024x128xf32, #tpu.memory_space<vmem>>, vector<1x1024x128xf32>
    %get3A_17 = vector.shape_cast %get3A_16 : vector<1x1024x128xf32> to vector<1024x128xf32>
    %add3A_18 = arith.addf %get3A_12, %get3A_17 : vector<1024x128xf32>
    %get3A_19 = arith.constant 0 : index
    %get3A_20 = arith.constant 0 : index
    %get3A_21 = vector.load %arg2[%get3A_19, %get3A_20] : memref<1024x128xf32, #tpu.memory_space<vmem>>, vector<1024x128xf32>
    %add3A_22 = arith.addf %add3A_18, %get3A_21 : vector<1024x128xf32>
    %mul3A = vector.broadcast %rsqrt3A : vector<1024x1xf32> to vector<1024x128xf32>
    %mul3A_23 = arith.mulf %add3A_22, %mul3A : vector<1024x128xf32>
    %get3A_24 = arith.constant 0 : index
    %get3A_25 = arith.constant 0 : index
    %get3A_26 = vector.load %arg4[%get3A_24, %get3A_25] : memref<1x128xf32, #tpu.memory_space<vmem>>, vector<1x128xf32>
    %add3A_27 = vector.broadcast %get3A_26 : vector<1x128xf32> to vector<1024x128xf32>
    %add3A_28 = arith.addf %mul3A_23, %add3A_27 : vector<1024x128xf32>
    %max3A = arith.constant 0.000000e+00 : f32
    %max3A_29 = vector.broadcast %max3A : f32 to vector<1024x128xf32>
    %max3A_30 = arith.maximumf %add3A_28, %max3A_29 : vector<1024x128xf32>
    %get3A_31 = arith.constant 0 : index
    %get3A_32 = arith.constant 0 : index
    %get3A_33 = vector.load %arg5[%get3A_31, %get3A_32] : memref<128x128xf32, #tpu.memory_space<vmem>>, vector<128x128xf32>
    %dot_general3A = arith.constant dense<0.000000e+00> : vector<1024x128xf32>
    %dot_general3A_34 = tpu.matmul %max3A_30, %get3A_33, %dot_general3A {dimension_numbers = #tpu.dot_dimension_numbers<[1], [0], [0], [1], [0, 0, 1, 1], [], []>, transpose_lhs_hint = false} : vector<1024x128xf32>, vector<128x128xf32>, vector<1024x128xf32> -> vector<1024x128xf32>
    %mul3A_35 = vector.broadcast %rsqrt3A : vector<1024x1xf32> to vector<1024x128xf32>
    %mul3A_36 = arith.mulf %dot_general3A_34, %mul3A_35 : vector<1024x128xf32>
    %swap3A = arith.constant 0 : index
    %swap3A_37 = arith.constant 0 : index
    %swap3A_38 = vector.load %arg6[%swap3A, %swap3A_37] : memref<1024x128xf32, #tpu.memory_space<vmem>>, vector<1024x128xf32>
    tpu.vector_store %arg6[%swap3A, %swap3A_37], %mul3A_36 {strides = array<i32>} : memref<1024x128xf32, #tpu.memory_space<vmem>>, vector<1024x128xf32>,
    return
  }
  func.func @transform_0(%arg0: i32) -> (i32, i32, i32) {
    %c0_i32 = arith.constant 0 : i32
    %c0_i32_0 = arith.constant 0 : i32
    %c0_i32_1 = arith.constant 0 : i32
    return %c0_i32, %arg0, %c0_i32_0 : i32, i32, i32
  }
  func.func @transform_1(%arg0: i32) -> (i32, i32) {
    %c0_i32 = arith.constant 0 : i32
    %c0_i32_0 = arith.constant 0 : i32
    return %arg0, %c0_i32 : i32, i32
  }
  func.func @transform_2(%arg0: i32) -> (i32, i32, i32) {
    %c0_i32 = arith.constant 0 : i32
    %c0_i32_0 = arith.constant 0 : i32
    %c0_i32_1 = arith.constant 0 : i32
    return %c0_i32, %arg0, %c0_i32_0 : i32, i32, i32
  }
  func.func @transform_3(%arg0: i32) -> (i32, i32) {
    %c0_i32 = arith.constant 0 : i32
    %c0_i32_0 = arith.constant 0 : i32
    %c0_i32_1 = arith.constant 0 : i32
    return %c0_i32, %c0_i32_0 : i32, i32
  }
  func.func @transform_4(%arg0: i32) -> (i32, i32) {
    %c0_i32 = arith.constant 0 : i32
    %c0_i32_0 = arith.constant 0 : i32
    %c0_i32_1 = arith.constant 0 : i32
    return %c0_i32, %c0_i32_0 : i32, i32
  }
  func.func @transform_5(%arg0: i32) -> (i32, i32) {
    %c0_i32 = arith.constant 0 : i32
    %c0_i32_0 = arith.constant 0 : i32
    return %arg0, %c0_i32 : i32, i32
  }
}

module attributes {stable_mosaic.version = 14 : i64} {
  func.func @_tc3_body(%arg0: i32, %arg1: memref<2x1024x128xf32, #tpu.memory_space<vmem>>, %arg2: memref<1024x128xf32, #tpu.memory_space<vmem>>, %arg3: memref<2x1024x16xf32, #tpu.memory_space<vmem>>, %arg4: memref<1x128xf32, #tpu.memory_space<vmem>>, %arg5: memref<1024x16xf32, #tpu.memory_space<vmem>>, %arg6: memref<16x128xf32, #tpu.memory_space<vmem>>, %arg7: memref<16x128xf32, #tpu.memory_space<vmem>>) attributes {dimension_semantics = [#tpu.dimension_semantics<arbitrary>], iteration_bounds = array<i64: 10>, scalar_prefetch = 0 : i64, scratch_operands = 1 : i64, tpu.core_type = #tpu.core_type<tc>, window_params = [{transform_indices = @transform_0, window_bounds = array<i64: 2, 1024, 128>}, {transform_indices = @transform_1, window_bounds = array<i64: 1024, 128>}, {transform_indices = @transform_2, window_bounds = array<i64: 2, 1024, 16>}, {pipeline_mode = #tpu.pipeline_mode<synchronous>, transform_indices = @transform_3, window_bounds = array<i64: 1, 128>}, {transform_indices = @transform_4, window_bounds = array<i64: 1024, 16>}, {pipeline_mode = #tpu.pipeline_mode<synchronous>, transform_indices = @transform_5, window_bounds = array<i64: 16, 128>}]} {
    %get3A = arith.constant 0 : index
    %get3A_0 = arith.constant 0 : index
    %get3A_1 = arith.constant 0 : index
    %get3A_2 = vector.load %arg3[%get3A, %get3A_0, %get3A_1] : memref<2x1024x16xf32, #tpu.memory_space<vmem>>, vector<2x1024x16xf32>
    %slice3A = vector.extract_strided_slice %get3A_2 {offsets = [0, 0, 0], sizes = [1, 1024, 1], strides = [1, 1, 1]} : vector<2x1024x16xf32> to vector<1x1024x1xf32>
    %squeeze3A = vector.shape_cast %slice3A : vector<1x1024x1xf32> to vector<1024x1xf32>
    %add3A = arith.constant 1.000000e+00 : f32
    %add3A_3 = vector.broadcast %add3A : f32 to vector<1024x1xf32>
    %add3A_4 = arith.addf %add3A_3, %squeeze3A : vector<1024x1xf32>
    %slice3A_5 = vector.extract_strided_slice %get3A_2 {offsets = [1, 0, 0], sizes = [1, 1024, 1], strides = [1, 1, 1]} : vector<2x1024x16xf32> to vector<1x1024x1xf32>
    %squeeze3A_6 = vector.shape_cast %slice3A_5 : vector<1x1024x1xf32> to vector<1024x1xf32>
    %add3A_7 = arith.addf %add3A_4, %squeeze3A_6 : vector<1024x1xf32>
    %rsqrt3A = math.rsqrt %add3A_7 : vector<1024x1xf32>
    %get3A_8 = arith.constant 0 : index
    %get3A_9 = arith.constant 0 : index
    %get3A_10 = arith.constant 0 : index
    %get3A_11 = vector.load %arg1[%get3A_8, %get3A_9, %get3A_10] : memref<2x1024x128xf32, #tpu.memory_space<vmem>>, vector<1x1024x128xf32>
    %get3A_12 = vector.shape_cast %get3A_11 : vector<1x1024x128xf32> to vector<1024x128xf32>
    %get3A_13 = arith.constant 1 : index
    %get3A_14 = arith.constant 0 : index
    %get3A_15 = arith.constant 0 : index
    %get3A_16 = vector.load %arg1[%get3A_13, %get3A_14, %get3A_15] : memref<2x1024x128xf32, #tpu.memory_space<vmem>>, vector<1x1024x128xf32>
    %get3A_17 = vector.shape_cast %get3A_16 : vector<1x1024x128xf32> to vector<1024x128xf32>
    %add3A_18 = arith.addf %get3A_12, %get3A_17 : vector<1024x128xf32>
    %get3A_19 = arith.constant 0 : index
    %get3A_20 = arith.constant 0 : index
    %get3A_21 = vector.load %arg2[%get3A_19, %get3A_20] : memref<1024x128xf32, #tpu.memory_space<vmem>>, vector<1024x128xf32>
    %add3A_22 = arith.addf %add3A_18, %get3A_21 : vector<1024x128xf32>
    %mul3A = vector.broadcast %rsqrt3A : vector<1024x1xf32> to vector<1024x128xf32>
    %mul3A_23 = arith.mulf %add3A_22, %mul3A : vector<1024x128xf32>
    %get3A_24 = arith.constant 0 : index
    %get3A_25 = arith.constant 0 : index
    %get3A_26 = vector.load %arg4[%get3A_24, %get3A_25] : memref<1x128xf32, #tpu.memory_space<vmem>>, vector<1x128xf32>
    %add3A_27 = vector.broadcast %get3A_26 : vector<1x128xf32> to vector<1024x128xf32>
    %add3A_28 = arith.addf %mul3A_23, %add3A_27 : vector<1024x128xf32>
    %get3A_29 = arith.constant 0 : index
    %get3A_30 = arith.constant 0 : index
    %get3A_31 = vector.load %arg5[%get3A_29, %get3A_30] : memref<1024x16xf32, #tpu.memory_space<vmem>>, vector<1024x16xf32>
    %dot_general3A = arith.constant dense<0.000000e+00> : vector<16x128xf32>
    %dot_general3A_32 = tpu.matmul %get3A_31, %add3A_28, %dot_general3A {dimension_numbers = #tpu.dot_dimension_numbers<[0], [0], [1], [1], [0, 1, 1, 1], [], []>, transpose_lhs_hint = false} : vector<1024x16xf32>, vector<1024x128xf32>, vector<16x128xf32> -> vector<16x128xf32>
    %broadcast_in_dim3A = arith.constant 1.000000e+00 : f32
    %broadcast_in_dim3A_33 = vector.broadcast %broadcast_in_dim3A : f32 to vector<1024x128xf32>
    %dot_general3A_34 = arith.constant dense<0.000000e+00> : vector<16x128xf32>
    %dot_general3A_35 = tpu.matmul %get3A_31, %broadcast_in_dim3A_33, %dot_general3A_34 {dimension_numbers = #tpu.dot_dimension_numbers<[0], [0], [1], [1], [0, 1, 1, 1], [], []>, transpose_lhs_hint = false} : vector<1024x16xf32>, vector<1024x128xf32>, vector<16x128xf32> -> vector<16x128xf32>
    %eq3A = arith.constant 0 : i32
    %eq3A_36 = arith.cmpi eq, %arg0, %eq3A : i32
    %convert_element_type3A = arith.extui %eq3A_36 : i1 to i32
    %cond3A = arith.constant 0 : i32
    %cond3A_37 = arith.cmpi ne, %convert_element_type3A, %cond3A : i32
    scf.if %cond3A_37 {
      %swap3A = arith.constant 0 : index
      %swap3A_47 = arith.constant 0 : index
      %swap3A_48 = vector.load %arg6[%swap3A, %swap3A_47] : memref<16x128xf32, #tpu.memory_space<vmem>>, vector<16x128xf32>
      tpu.vector_store %arg6[%swap3A, %swap3A_47], %dot_general3A_32 {strides = array<i32>} : memref<16x128xf32, #tpu.memory_space<vmem>>, vector<16x128xf32>,
      %swap3A_49 = arith.constant 0 : index
      %swap3A_50 = arith.constant 0 : index
      %swap3A_51 = vector.load %arg7[%swap3A_49, %swap3A_50] : memref<16x128xf32, #tpu.memory_space<vmem>>, vector<16x128xf32>
      tpu.vector_store %arg7[%swap3A_49, %swap3A_50], %dot_general3A_35 {strides = array<i32>} : memref<16x128xf32, #tpu.memory_space<vmem>>, vector<16x128xf32>,
    } else {
    }
    %gt3A = arith.constant 0 : i32
    %gt3A_38 = arith.cmpi sgt, %arg0, %gt3A : i32
    %convert_element_type3A_39 = arith.extui %gt3A_38 : i1 to i32
    %cond3A_40 = arith.constant 0 : i32
    %cond3A_41 = arith.cmpi ne, %convert_element_type3A_39, %cond3A_40 : i32
    scf.if %cond3A_41 {
      %get3A_47 = arith.constant 0 : index
      %get3A_48 = arith.constant 0 : index
      %get3A_49 = vector.load %arg6[%get3A_47, %get3A_48] : memref<16x128xf32, #tpu.memory_space<vmem>>, vector<16x128xf32>
      %add3A_50 = arith.addf %get3A_49, %dot_general3A_32 : vector<16x128xf32>
      %swap3A = arith.constant 0 : index
      %swap3A_51 = arith.constant 0 : index
      %swap3A_52 = vector.load %arg6[%swap3A, %swap3A_51] : memref<16x128xf32, #tpu.memory_space<vmem>>, vector<16x128xf32>
      tpu.vector_store %arg6[%swap3A, %swap3A_51], %add3A_50 {strides = array<i32>} : memref<16x128xf32, #tpu.memory_space<vmem>>, vector<16x128xf32>,
      %get3A_53 = arith.constant 0 : index
      %get3A_54 = arith.constant 0 : index
      %get3A_55 = vector.load %arg7[%get3A_53, %get3A_54] : memref<16x128xf32, #tpu.memory_space<vmem>>, vector<16x128xf32>
      %add3A_56 = arith.addf %get3A_55, %dot_general3A_35 : vector<16x128xf32>
      %swap3A_57 = arith.constant 0 : index
      %swap3A_58 = arith.constant 0 : index
      %swap3A_59 = vector.load %arg7[%swap3A_57, %swap3A_58] : memref<16x128xf32, #tpu.memory_space<vmem>>, vector<16x128xf32>
      tpu.vector_store %arg7[%swap3A_57, %swap3A_58], %add3A_56 {strides = array<i32>} : memref<16x128xf32, #tpu.memory_space<vmem>>, vector<16x128xf32>,
    } else {
    }
    %eq3A_42 = arith.constant 9 : i32
    %eq3A_43 = arith.cmpi eq, %arg0, %eq3A_42 : i32
    %convert_element_type3A_44 = arith.extui %eq3A_43 : i1 to i32
    %cond3A_45 = arith.constant 0 : i32
    %cond3A_46 = arith.cmpi ne, %convert_element_type3A_44, %cond3A_45 : i32
    scf.if %cond3A_46 {
      %get3A_47 = arith.constant 0 : index
      %get3A_48 = arith.constant 0 : index
      %get3A_49 = vector.load %arg6[%get3A_47, %get3A_48] : memref<16x128xf32, #tpu.memory_space<vmem>>, vector<16x128xf32>
      %get3A_50 = arith.constant 0 : index
      %get3A_51 = arith.constant 0 : index
      %get3A_52 = vector.load %arg7[%get3A_50, %get3A_51] : memref<16x128xf32, #tpu.memory_space<vmem>>, vector<16x128xf32>
      %max3A = arith.constant 1.000000e+00 : f32
      %max3A_53 = vector.broadcast %max3A : f32 to vector<16x128xf32>
      %max3A_54 = arith.maximumf %get3A_52, %max3A_53 : vector<16x128xf32>
      %div3A = arith.divf %get3A_49, %max3A_54 : vector<16x128xf32>
      %swap3A = arith.constant 0 : index
      %swap3A_55 = arith.constant 0 : index
      %swap3A_56 = vector.load %arg6[%swap3A, %swap3A_55] : memref<16x128xf32, #tpu.memory_space<vmem>>, vector<16x128xf32>
      tpu.vector_store %arg6[%swap3A, %swap3A_55], %div3A {strides = array<i32>} : memref<16x128xf32, #tpu.memory_space<vmem>>, vector<16x128xf32>,
    } else {
    }
    return
  }
  func.func @transform_0(%arg0: i32) -> (i32, i32, i32) {
    %c0_i32 = arith.constant 0 : i32
    %c0_i32_0 = arith.constant 0 : i32
    %c0_i32_1 = arith.constant 0 : i32
    return %c0_i32, %arg0, %c0_i32_0 : i32, i32, i32
  }
  func.func @transform_1(%arg0: i32) -> (i32, i32) {
    %c0_i32 = arith.constant 0 : i32
    %c0_i32_0 = arith.constant 0 : i32
    return %arg0, %c0_i32 : i32, i32
  }
  func.func @transform_2(%arg0: i32) -> (i32, i32, i32) {
    %c0_i32 = arith.constant 0 : i32
    %c0_i32_0 = arith.constant 0 : i32
    %c0_i32_1 = arith.constant 0 : i32
    return %c0_i32, %arg0, %c0_i32_0 : i32, i32, i32
  }
  func.func @transform_3(%arg0: i32) -> (i32, i32) {
    %c0_i32 = arith.constant 0 : i32
    %c0_i32_0 = arith.constant 0 : i32
    %c0_i32_1 = arith.constant 0 : i32
    return %c0_i32, %c0_i32_0 : i32, i32
  }
  func.func @transform_4(%arg0: i32) -> (i32, i32) {
    %c0_i32 = arith.constant 0 : i32
    %c0_i32_0 = arith.constant 0 : i32
    return %arg0, %c0_i32 : i32, i32
  }
  func.func @transform_5(%arg0: i32) -> (i32, i32) {
    %c0_i32 = arith.constant 0 : i32
    %c0_i32_0 = arith.constant 0 : i32
    %c0_i32_1 = arith.constant 0 : i32
    return %c0_i32, %c0_i32_0 : i32, i32
  }
}

</mosaic_0001>

<sc_bundles>
// kernel: kernel.11.cloned.1.call-start
scs
__scs_entry_jumppad:
0x0: {  	(pc) =	sbr.rel $0x88, $3  }
0x1: {  	(tag) =	ssettag $0x0;
	lr =	simm.s32 $0x1  }
0x2: {  	[smem:$0x3F9A] =	sst lr;
	_ =	strace $0xD0000000  }
0x3: {  	_ = 	snop  }
0x4: {  	_ = 	snop  }
0x5: {  	_ = 	snop  }
0x6: {  	_ = 	snop  }
0x7: {  	_ = 	snop  }
__scs_overlays_trampoline_lowered:
0x8: {  	[smem:$0x3FA9] =	sst s0  }
0x9: {  	[smem:$0x3FAA] =	sst s1  }
0xa: {  	[smem:$0x3FAB] =	sst s2  }
0xb: {  	[smem:$0x3FAC] =	sst s3  }
0xc: {  	[smem:$0x3FAD] =	sst s4  }
0xd: {  	[smem:$0x3FAE] =	sst s5  }
0xe: {  	[smem:$0x3FAF] =	sst s6  }
0xf: {  	[smem:$0x3FB0] =	sst s7  }
0x10: {  	[smem:$0x3FB1] =	sst s8  }
0x11: {  	[smem:$0x3FB2] =	sst s9;
	s0 =	simm.s32 @!p0 $0x0  }
0x12: {  	s1 =	sld [smem:$0x3F98];
	s0 =	simm.s32 @p0 $0x1  }
0x13: {  	[smem:$0x3FB3] =	sst s0;
	s0 =	simm.s32 @!p1 $0x0  }
0x14: {  	s2 =	sld [smem:$0x3F97];
	s0 =	simm.s32 @p1 $0x1  }
0x15: {  	[smem:$0x3FB4] =	sst s0;
	s0 =	simm.s32 @!p2 $0x0  }
0x16: {  	s3 =	sld [smem:$0x3FDB];
	s0 =	simm.s32 @p2 $0x1  }
0x17: {  	s4 =	simm.s32 $0x1BF5;
	[smem:$0x3FB6] =	sst s0  }
0x18: {  	s0 =	sld [smem:$0x3F99];
	_ =	swait.ge [sflag:s4], $0x0  }
0x19: {  	s7 =	sld [smem:$0x3F9A]  }
0x1a: {  	s8 =	sadd.s32 $0xFFFFE003, lr  }
0x1b: {  	s9 =	sadd.s32 $0xFFFFFEF7, lr;
	s5 =	simm.s32 $0xFFFFFFFF;
	p2 =	slt.u32 s8, $0xFFFFF086  }
0x1c: {  	p1 =	slt.u32 s9, $0xF7A;
	s5 =	simm.s32 @!p2 $0x0  }
0x1d: {  	s5 =	simm.s32 @p1 $0x1;
	p0 =	seq.s32 s7, s2  }
0x1e: {  	s7 =	smul.u32 @!p0 $0xF7A, s2;
	p2 =	seq.s32 @!p0 s5, $0x0  }
0x1f: {  	s9 =	smul.u32 $0xF7A, s1;
	s8 =	simm.s32 @!p0 $0x1BF5;
	p2 =	por !p2, p0  }
0x20: {  	[sflag:s8] =	ssyncset.s32 @!p0 $0xFFFFF086;
	s6 =	sadd.s32 @!p0 s3, s7;
	s7 =	simm.s32 @!p0 $0x108  }
0x21: {  	s3 =	sadd.s32 s3, s9;
	s6 =	sadd.s32 @!p0 $0x88, s6;
	s7 =	simm.s32 @p2 $0x1082  }
0x22: {  	[simem:s7], [sflag:s8] =	dma.local @!p0 [hbm:s6], $0xF7A  }
0x23: {  	s9 =	sor.u32 $0xD0000000, s2;
	s6 =	simm.s32 $0x108;
	_ =	swait.ge @!p0 [sflag:s8], $0x0  }
0x24: {  	s3 =	sadd.s32 $0x88, s3;
	s6 =	simm.s32 @!p1 $0x1082;
	[sflag:s4] =	ssyncset.s32 $0xFFFFF086  }
0x25: {  	[simem:s6], [sflag:s4] =	dma.local [hbm:s3], $0xF7A  }
0x26: {  	[smem:$0x3F9A] =	sst s1;
	(tag) =	ssettag s2;
	_ =	strace s9  }
0x27: {  	s1 =	sld [smem:$0x3FAA]  }
0x28: {  	s2 =	sld [smem:$0x3FAB]  }
0x29: {  	s4 =	sld [smem:$0x3FAD]  }
0x2a: {  	p0 =	seq.s32 s5, $0x0;
	s5 =	sld [smem:$0x3FAE]  }
0x2b: {  	s6 =	sld [smem:$0x3FAF]  }
0x2c: {  	s7 =	sld [smem:$0x3FB0]  }
0x2d: {  	s3 =	simm.s32 $0x108;
	s8 =	sld [smem:$0x3FB1]  }
0x2e: {  	s3 =	simm.s32 @!p0 $0x1082;
	s9 =	sld [smem:$0x3FB2]  }
0x2f: {  	lr =	sadd.s32 s0, s3;
	s0 =	sld [smem:$0x3FA9]  }
0x30: {  	s3 =	sld [smem:$0x3FAC]  }
0x31: {  	[smem:$0x3FB5] =	sst s10  }
0x32: {  	s10 =	sld [smem:$0x3FB3];
	_ =	sdelay $0x3  }
0x33: {  	p0 =	seq.s32 s10, $0x1;
	s10 =	sld [smem:$0x3FB5];
	_ =	sdelay $0x3  }
0x34: {  	[smem:$0x3FB5] =	sst s10  }
0x35: {  	s10 =	sld [smem:$0x3FB4];
	_ =	sdelay $0x3  }
0x36: {  	p1 =	seq.s32 s10, $0x1;
	s10 =	sld [smem:$0x3FB5];
	_ =	sdelay $0x3  }
0x37: {  	[smem:$0x3FB5] =	sst s10  }
0x38: {  	s10 =	sld [smem:$0x3FB6]  }
0x39: {  	_ = 	snop;
	(pc) =	sbr.ind lr, $3  }
0x3a: {  	_ = 	snop  }
0x3b: {  	_ = 	snop  }
0x3c: {  	p2 =	seq.s32 s10, $0x1;
	s10 =	sld [smem:$0x3FB5]  }
0x3d: {  	_ =	shalt  }
0x3e: {  	_ =	shalt  }
0x3f: {  	_ =	shalt  }
0x40: {  	_ =	shalt  }
0x41: {  	_ =	shalt  }
0x42: {  	_ =	shalt  }
0x43: {  	_ =	shalt  }
0x44: {  	_ =	shalt  }
0x45: {  	_ =	shalt  }
0x46: {  	_ =	shalt  }
0x47: {  	_ =	shalt  }
0x48: {  	_ =	shalt  }
0x49: {  	_ =	shalt  }
0x4a: {  	_ =	shalt  }
0x4b: {  	_ =	shalt  }
0x4c: {  	_ =	shalt  }
0x4d: {  	_ =	shalt  }
0x4e: {  	_ =	shalt  }
0x4f: {  	_ =	shalt  }
0x50: {  	_ =	shalt  }
0x51: {  	_ =	shalt  }
0x52: {  	_ =	shalt  }
0x53: {  	_ =	shalt  }
0x54: {  	_ =	shalt  }
0x55: {  	_ =	shalt  }
0x56: {  	_ =	shalt  }
0x57: {  	_ =	shalt  }
0x58: {  	_ =	shalt  }
0x59: {  	_ =	shalt  }
0x5a: {  	_ =	shalt  }
0x5b: {  	_ =	shalt  }
0x5c: {  	_ =	shalt  }
0x5d: {  	_ =	shalt  }
0x5e: {  	_ =	shalt  }
0x5f: {  	_ =	shalt  }
0x60: {  	_ =	shalt  }
0x61: {  	_ =	shalt  }
0x62: {  	_ =	shalt  }
0x63: {  	_ =	shalt  }
0x64: {  	_ =	shalt  }
0x65: {  	_ =	shalt  }
0x66: {  	_ =	shalt  }
0x67: {  	_ =	shalt  }
0x68: {  	_ =	shalt  }
0x69: {  	_ =	shalt  }
0x6a: {  	_ =	shalt  }
0x6b: {  	_ =	shalt  }
0x6c: {  	_ =	shalt  }
0x6d: {  	_ =	shalt  }
0x6e: {  	_ =	shalt  }
0x6f: {  	_ =	shalt  }
0x70: {  	_ =	shalt  }
0x71: {  	_ =	shalt  }
0x72: {  	_ =	shalt  }
0x73: {  	_ =	shalt  }
0x74: {  	_ =	shalt  }
0x75: {  	_ =	shalt  }
0x76: {  	_ =	shalt  }
0x77: {  	_ =	shalt  }
0x78: {  	_ =	shalt  }
0x79: {  	_ =	shalt  }
0x7a: {  	_ =	shalt  }
0x7b: {  	_ =	shalt  }
0x7c: {  	_ =	shalt  }
0x7d: {  	_ =	shalt  }
0x7e: {  	_ =	shalt  }
0x7f: {  	_ =	shalt  }
0x80: {  	_ =	shalt  }
0x81: {  	_ =	shalt  }
0x82: {  	_ =	shalt  }
0x83: {  	_ =	shalt  }
0x84: {  	_ =	shalt  }
0x85: {  	_ =	shalt  }
0x86: {  	_ =	shalt  }
0x87: {  	_ =	shalt  }
.Lfunc_end0:
.L_simem_size_0:
called_computation.1_lowered:
.L_overlay_start_0:
0x88: {  	s2 =	sld [smem:$0x3FD9]  }
0x89: {  	s3 =	sld [smem:$0x3FFE];
	_ =	sdelay $0x1  }
0x8a: {  	s1 =	srdreg.scid  }
0x8b: {  	s0 =	sand.u32 $0x1, s1  }
0x8c: {  	s16 =	sshll.u32 s0, $0xA;
	s2 =	sadd.s32 s3, s2  }
0x8d: {  	s2 =	sadd.s32 s2, s16  }
0x8e: {  	[smem:$0x3FC1] =	sst s2  }
0x8f: {  	_ = 	snop  }
0x90: {  	(tm) =	ssettm $0x1  }
0x91: {  	s17 =	sld [smem:$0x3FFB];
	_ =	sdelay $0x3  }
0x92: {  	_ =	strace s17  }
0x93: {  	s2 =	sld [smem:$0x3FFC];
	_ =	sdelay $0x3  }
0x94: {  	_ =	strace s2  }
0x95: {  	s2 =	sld [smem:$0x3FFD];
	_ =	sdelay $0x3  }
0x96: {  	_ =	strace s2  }
0x97: {  	_ =	strace $0x8FFFFFFF  }
0x98: {  	s18 =	sld [smem:$0x3FDB];
	_ =	sdelay $0x1  }
0x99: {  	s19 =	simm.s32 $_scs_section_size  }
0x9a: {  	s4 =	simm.s32 $_size__tile_overlayer_lowered;
	s5 =	simm.s32 $_tile_overlayer_lowered  }
0x9b: {  	s22 =	simm.s32 $0x1BFF;
	s21 =	sshll.u32 s5, $0x1;
	s2 =	sadd.s32 s19, s18  }
0x9c: {  	s6 =	simm.s32 $0x0;
	s20 =	sshll.u32 s4, $0x1;
	s4 =	sadd.s32 s21, s2  }
0x9d: {  	[timem:s6], [sflag:s22] =	dma.local [hbm:s4], s20  }
0x9e: {  	_ =	swait.ge [sflag:s22], s20  }
0x9f: {  	s3 =	ssub.s32 $0x0, s20;
	[sflag:s22] =	ssyncset.done $0x0  }
0xa0: {  	[sflag:s22] =	ssyncadd.s32 s3;
	_ =	sdelay $0x1  }
0xa1: {  	s23 =	simm.s32 $0x1B8B  }
0xa2: {  	_ =	swait.ge [sflag:s23], $0x1  }
0xa3: {  	[sflag:s23] =	ssyncset.done $0x0  }
0xa4: {  	s25 =	simm.s32 $0x1B8E;
	s24 =	sld [smem:$0x3FFE];
	[sflag:s23] =	ssyncadd.s32 $0xFFFFFFFF  }
0xa5: {  	s26 =	simm.s32 $execute0_lowered;
	[smem:$0x3FD2] =	sst s25  }
0xa6: {  	s4 =	sshll.u32 s26, $0x1;
	_ =	strace $0x80000049;
	[dreg:$0x1] =	wrdreg $0xFFFFFFFF  }
0xa7: {  	s28 =	simm.s32 $_size_execute0_lowered;
	s2 =	sadd.s32 s2, s4;
	[dreg:$0x0] =	wrdreg $0x0  }
0xa8: {  	s4 =	sshll.u32 s28, $0x1;
	[dreg:$0x2] =	wrdreg s2  }
0xa9: {  	[dreg:$0x3] =	wrdreg s4  }
0xaa: {  	[dreg:$0x4] =	wrdreg $0xC0  }
0xab: {  	_ =	task [dreg:s6], $0x5FFFF  }
0xac: {  	[dreg:$0x1] =	wrdreg $0xFFFFFFFF  }
0xad: {  	[dreg:$0x0] =	wrdreg $0x60  }
0xae: {  	[dreg:$0x2] =	wrdreg s24  }
0xaf: {  	[dreg:$0x3] =	wrdreg $0xA8000  }
0xb0: {  	[dreg:$0x4] =	wrdreg $0x9  }
0xb1: {  	_ =	task.clear_ibuf [dreg:s6], $0x5FFFF;
	_ =	strace $0x90000049  }
0xb2: {  	s29 =	simm.s32 $0x9;
	_ =	strace $0x8000004B  }
0xb3: {  	_ =	swait.ge [sflag:s29], $0x1  }
0xb4: {  	[sflag:s29] =	ssyncadd.s32 $0xFFFFFFFF  }
0xb5: {  	_ =	strace $0x9000004B  }
0xb6: {  	_ =	sfence  }
0xb7: {  	s30 =	sld [smem:$0x0];
	_ =	sdelay $0x2  }
0xb8: {  	s31 =	sshll.u32 s1, $0xD;
	s1 =	sshrl.u32 s1, $0x2  }
0xb9: {  	s3 =	sand.u32 $0x4000, s31;
	s1 =	sadd.s32 s1, s30  }
0xba: {  	s0 =	sor.u32 s3, s0;
	s1 =	sshll.u32 s1, $0x11  }
0xbb: {  	s0 =	sor.u32 s1, s0  }
0xbc: {  	s0 =	sadd.s32 $0x8F2B, s0  }
0xbd: {  	[sflag:s0] =	ssyncadd.remote.s32 $0x1  }
0xbe: {  	_ =	sfence.sel $0xFFFF  }
0xbf: {  	[dreg:$0x0] =	wrdreg $0xFFFFFFFF;
	(pc) =	sbr.abs _section_cstart, $3  }
0xc0: {  	[dreg:$0x1] =	wrdreg $0xFFFFFFFF  }
0xc1: {  	_ =	task.clear_ibuf [dreg:s6], $0x2FFFF;
	_ =	strace $0x9FFFFFFF  }
0xc2: {  	(tm) =	ssettm $0x7FFFFFFF  }
0xc3: {  	_ =	shalt  }
tec
execute0_lowered:
.L_overlay_start_1:
0x0: {  	(tag) =	ssettag $0x1  }
0x1: {  	s5 =	rddreg [dreg:$0x0]  }
0x2: {  	s1 =	rddreg [dreg:$0x1]  }
0x3: {  	s0 =	rddreg [dreg:$0x2]  }
0x4: {  	s2 =	simm.s32 $0x0;
	s3 =	srdreg.scid;
	s9 =	stileid.u32  }
0x5: {  	s15 =	simm.s32 $0x2800;
	s16 =	simm.s32 $0x1;
	s17 =	simm.s32 $0x6800  }
0x6: {  	s18 =	simm.s32 $0x2;
	s19 =	simm.s32 $0x1480;
	s20 =	simm.s32 $0x3  }
0x7: {  	s21 =	simm.s32 $0x100;
	s22 =	simm.s32 $0x4;
	s23 =	simm.s32 $0x0  }
0x8: {  	[smem:$0x7FF] =	sst s2;
	s4 =	sand.u32 $0x1, s3;
	s3 =	sadd.s32 $0x16600, s5  }
0x9: {  	s7 =	sadd.s32 $0x2600, s5;
	s10 =	sadd.s32 $0xC600, s5;
	s6 =	sshll.u32 s4, $0x4  }
0xa: {  	p0 =	sne.s32 s9, $0x0;
	s8 =	smul.u32 $0x28000, s4;
	s6 =	sor.u32 s9, s6  }
0xb: {  	_ =	strace $0x8000004A;
	s11 =	ssub.s32 $0x2, s4;
	s12 =	smul.u32 $0x2800, s6  }
0xc: {  	s4 =	sadd.s32 $0x8E600, s5;
	s13 =	sshrl.u32 s11, $0x1;
	s6 =	smul.u32 $0x500, s6  }
.Ltmp0:
0xd: {  	s14 =	sadd.s32 s8, s5;
	s11 =	ssub.s32 s11, s13;
	(pc) =	sbr.rel .LBB2_1-.Ltmp0, $4  }
0xe: {  	s13 =	simm.s32 $0x1400;
	s9 =	sadd.s32 $0xB6600, s14;
	s31 =	sshrl.u32 s12, $0x3  }
0xf: {  	s14 =	simm.s32 $0x80;
	s5 =	sadd.s32 s7, s6;
	s8 =	sadd.s32 $0x280, s31  }
0x10: {  	s6 =	sadd.s32 s10, s6;
	s12 =	simm.s32 $0x5;
	s7 =	sadd.s32 s7, s8  }
0x11: {  	s8 =	sadd.s32 s10, s8;
	s10 =	smax.u32 s11, $0x1;
	s11 =	sshrl.u32 @!p0 s1, $0x3  }
.LBB2_7:
0x12: {  	_ =	swait.ge [sflag:s22], $0x4000  }
0x13: {  	[sflag:s22] =	ssyncset.done $0x0  }
0x14: {  	s23 =	sadd.s32 $0x1, s23;
	[sflag:s22] =	ssyncadd.s32 $0xFFFFC000  }
0x15: {  	s24 =	simm.s32 @!p0 $0x1C05;
	p1 =	sne.s32 s23, s10;
	[bflag:$0x0] =	sbarrier.arrive $0xFFFF  }
0x16: {  	[hbm:s9], [sflag:s24] =	dma.local @!p0 [spmem:s11], $0x28000  }
.Ltmp1:
0x17: {  	_ = 	snop;
	(pc) =	sbr.rel @!p1 .LBB2_8-.Ltmp1, $4  }
0x18: {  	s24 =	simm.s32 @!p0 $0x5  }
0x19: {  	_ =	swait.ge @!p0 [sflag:s24], $0x28000  }
0x1a: {  	[sflag:s24] =	ssyncset.done @!p0 $0x0  }
0x1b: {  	[sflag:s24] =	ssyncadd.s32 @!p0 $0xFFFD8000  }
.LBB2_1:
0x1c: {  	s24 =	simm.s32 @!p0 $0x1C05  }
0x1d: {  	[spmem:s11], [sflag:s24] =	dma.local @!p0 [hbm:s4], $0x28000  }
0x1e: {  	s24 =	simm.s32 @!p0 $0x5  }
0x1f: {  	_ =	swait.ge @!p0 [sflag:s24], $0x28000  }
0x20: {  	[sflag:s24] =	ssyncset.done @!p0 $0x0  }
0x21: {  	[sflag:s24] =	ssyncadd.s32 @!p0 $0xFFFD8000  }
0x22: {  	[bflag:$0x0] =	sbarrier.arrive $0xFFFF  }
0x23: {  	[tilespmem:s2], [sflag:$0x5] =	stream.linear.gather [hbm4b:s5+s2], $0x1400, $0x38;
	[tilespmem:$0x1E800] =	vst v63  }
0x24: {  	_ =	swait.ge [sflag:s12], $0x1400  }
0x25: {  	[sflag:s12] =	ssyncset.done $0x0  }
0x26: {  	[sflag:s12] =	ssyncadd.s32 $0xFFFFEC00  }
0x27: {  	[tilespmem:s13], [sflag:$0x5] =	stream.linear.gather [hbm4b:s6+s2], $0x1400, $0x38;
	[tilespmem:$0x1E800] =	vst v63  }
0x28: {  	_ =	swait.ge [sflag:s12], $0x1400  }
0x29: {  	[sflag:s12] =	ssyncset.done $0x0  }
0x2a: {  	[sflag:s12] =	ssyncadd.s32 $0xFFFFEC00  }
0x2b: {  	[tilespmem:s15], [sflag:$0x1] =	stream.indirect.gather [hbm4b:s3+s14], $0x80, s2, s14, $0xb8;
	[tilespmem:$0x1E800] =	vst v63  }
0x2c: {  	_ =	swait.ge [sflag:s16], $0x4000  }
0x2d: {  	[sflag:s16] =	ssyncset.done $0x0  }
0x2e: {  	[sflag:s16] =	ssyncadd.s32 $0xFFFFC000  }
0x2f: {  	[spmem:s1] =	stream.indirect.scatter.add.f32 [tilespmem:s15], [sflag:$0x3], $0x80, s13, s14, $0xb8;
	[tilespmem:$0x1E800] =	vst v63  }
0x30: {  	_ = 	snop  }
0x31: {  	[tilespmem:s17], [sflag:$0x2] =	stream.indirect.gather [hbm4b:s3+s14], $0x80, s14, s14, $0xb8;
	[tilespmem:$0x1E800] =	vst v63  }
0x32: {  	_ =	swait.ge [sflag:s18], $0x4000  }
0x33: {  	[sflag:s18] =	ssyncset.done $0x0  }
0x34: {  	[sflag:s18] =	ssyncadd.s32 $0xFFFFC000  }
0x35: {  	[spmem:s1] =	stream.indirect.scatter.add.f32 [tilespmem:s17], [sflag:$0x4], $0x80, s19, s14, $0xb8;
	[tilespmem:$0x1E800] =	vst v63  }
0x36: {  	_ =	swait.ge [sflag:s20], $0x4000  }
0x37: {  	[sflag:s20] =	ssyncset.done $0x0  }
0x38: {  	s24 =	simm.s32 $0xFFFFB800;
	[sflag:s20] =	ssyncadd.s32 $0xFFFFC000  }
0x39: {  	[tilespmem:s15], [sflag:$0x1] =	stream.indirect.gather [hbm4b:s3+s14], $0x80, s21, s14, $0xb8;
	[tilespmem:$0x1E800] =	vst v63  }
.LBB2_2:
0x3a: {  	_ =	swait.ge [sflag:s16], $0x4000  }
0x3b: {  	s25 =	sshra.s32 s24, $0x2;
	[sflag:s16] =	ssyncset.done $0x0  }
0x3c: {  	s26 =	sadd.s32 $0x2700, s25;
	[sflag:s16] =	ssyncadd.s32 $0xFFFFC000  }
0x3d: {  	[spmem:s1] =	stream.indirect.scatter.add.f32 [tilespmem:s15], [sflag:$0x3], $0x80, s26, s14, $0xb8;
	[tilespmem:$0x1E800] =	vst v63  }
0x3e: {  	_ =	swait.ge [sflag:s22], $0x4000  }
0x3f: {  	[sflag:s22] =	ssyncset.done $0x0  }
0x40: {  	s30 =	sadd.s32 $0x1380, s25;
	[sflag:s22] =	ssyncadd.s32 $0xFFFFC000  }
0x41: {  	[tilespmem:s17], [sflag:$0x2] =	stream.indirect.gather [hbm4b:s3+s14], $0x80, s30, s14, $0xb8;
	[tilespmem:$0x1E800] =	vst v63  }
0x42: {  	_ =	swait.ge [sflag:s18], $0x4000  }
0x43: {  	p1 =	seq.s32 s24, $0x0;
	[sflag:s18] =	ssyncset.done $0x0  }
.Ltmp2:
0x44: {  	s31 =	sadd.s32 $0x2780, s25;
	[sflag:s18] =	ssyncadd.s32 $0xFFFFC000;
	(pc) =	sbr.rel @p1 .LBB2_4-.Ltmp2, $4  }
0x45: {  	[spmem:s1] =	stream.indirect.scatter.add.f32 [tilespmem:s17], [sflag:$0x4], $0x80, s31, s14, $0xb8;
	[tilespmem:$0x1E800] =	vst v63  }
0x46: {  	_ =	swait.ge [sflag:s20], $0x4000  }
0x47: {  	[sflag:s20] =	ssyncset.done $0x0  }
0x48: {  	[sflag:s20] =	ssyncadd.s32 $0xFFFFC000  }
.Ltmp3:
0x49: {  	(pc) =	sbr.rel .LBB2_2-.Ltmp3, $3  }
0x4a: {  	_ =	sdelay $0x1  }
0x4b: {  	s25 =	sadd.s32 $0x1400, s25;
	s24 =	sadd.s32 $0x400, s24  }
0x4c: {  	[tilespmem:s15], [sflag:$0x1] =	stream.indirect.gather [hbm4b:s3+s14], $0x80, s25, s14, $0xb8;
	[tilespmem:$0x1E800] =	vst v63  }
.LBB2_4:
0x4d: {  	_ =	swait.ge [sflag:s22], $0x4000  }
0x4e: {  	[sflag:s22] =	ssyncset.done $0x0  }
0x4f: {  	[sflag:s22] =	ssyncadd.s32 $0xFFFFC000  }
0x50: {  	[tilespmem:s2], [sflag:$0x5] =	stream.linear.gather [hbm4b:s7+s2], $0x1400, $0x38;
	[tilespmem:$0x1E800] =	vst v63  }
0x51: {  	_ =	swait.ge [sflag:s12], $0x1400  }
0x52: {  	[sflag:s12] =	ssyncset.done $0x0  }
0x53: {  	[sflag:s12] =	ssyncadd.s32 $0xFFFFEC00  }
0x54: {  	[tilespmem:s13], [sflag:$0x5] =	stream.linear.gather [hbm4b:s8+s2], $0x1400, $0x38;
	[tilespmem:$0x1E800] =	vst v63  }
0x55: {  	_ =	swait.ge [sflag:s12], $0x1400  }
0x56: {  	[sflag:s12] =	ssyncset.done $0x0  }
0x57: {  	[sflag:s12] =	ssyncadd.s32 $0xFFFFEC00  }
0x58: {  	[tilespmem:s15], [sflag:$0x1] =	stream.indirect.gather [hbm4b:s3+s14], $0x80, s2, s14, $0xb8;
	[tilespmem:$0x1E800] =	vst v63  }
0x59: {  	_ =	swait.ge [sflag:s16], $0x4000  }
0x5a: {  	[sflag:s16] =	ssyncset.done $0x0  }
0x5b: {  	[sflag:s16] =	ssyncadd.s32 $0xFFFFC000  }
0x5c: {  	[spmem:s1] =	stream.indirect.scatter.add.f32 [tilespmem:s15], [sflag:$0x3], $0x80, s13, s14, $0xb8;
	[tilespmem:$0x1E800] =	vst v63  }
0x5d: {  	_ = 	snop  }
0x5e: {  	[tilespmem:s17], [sflag:$0x2] =	stream.indirect.gather [hbm4b:s3+s14], $0x80, s14, s14, $0xb8;
	[tilespmem:$0x1E800] =	vst v63  }
0x5f: {  	_ =	swait.ge [sflag:s18], $0x4000  }
0x60: {  	[sflag:s18] =	ssyncset.done $0x0  }
0x61: {  	[sflag:s18] =	ssyncadd.s32 $0xFFFFC000  }
0x62: {  	[spmem:s1] =	stream.indirect.scatter.add.f32 [tilespmem:s17], [sflag:$0x4], $0x80, s19, s14, $0xb8;
	[tilespmem:$0x1E800] =	vst v63  }
0x63: {  	_ =	swait.ge [sflag:s20], $0x4000  }
0x64: {  	[sflag:s20] =	ssyncset.done $0x0  }
0x65: {  	s24 =	simm.s32 $0xFFFFB800;
	[sflag:s20] =	ssyncadd.s32 $0xFFFFC000  }
0x66: {  	[tilespmem:s15], [sflag:$0x1] =	stream.indirect.gather [hbm4b:s3+s14], $0x80, s21, s14, $0xb8;
	[tilespmem:$0x1E800] =	vst v63  }
.LBB2_5:
0x67: {  	_ =	swait.ge [sflag:s16], $0x4000  }
0x68: {  	s25 =	sshra.s32 s24, $0x2;
	[sflag:s16] =	ssyncset.done $0x0  }
0x69: {  	s26 =	sadd.s32 $0x2700, s25;
	[sflag:s16] =	ssyncadd.s32 $0xFFFFC000  }
0x6a: {  	[spmem:s1] =	stream.indirect.scatter.add.f32 [tilespmem:s15], [sflag:$0x3], $0x80, s26, s14, $0xb8;
	[tilespmem:$0x1E800] =	vst v63  }
0x6b: {  	_ =	swait.ge [sflag:s22], $0x4000  }
0x6c: {  	[sflag:s22] =	ssyncset.done $0x0  }
0x6d: {  	s30 =	sadd.s32 $0x1380, s25;
	[sflag:s22] =	ssyncadd.s32 $0xFFFFC000  }
0x6e: {  	[tilespmem:s17], [sflag:$0x2] =	stream.indirect.gather [hbm4b:s3+s14], $0x80, s30, s14, $0xb8;
	[tilespmem:$0x1E800] =	vst v63  }
0x6f: {  	_ =	swait.ge [sflag:s18], $0x4000  }
0x70: {  	p1 =	seq.s32 s24, $0x0;
	[sflag:s18] =	ssyncset.done $0x0  }
.Ltmp4:
0x71: {  	s31 =	sadd.s32 $0x2780, s25;
	[sflag:s18] =	ssyncadd.s32 $0xFFFFC000;
	(pc) =	sbr.rel @p1 .LBB2_7-.Ltmp4, $4  }
0x72: {  	[spmem:s1] =	stream.indirect.scatter.add.f32 [tilespmem:s17], [sflag:$0x4], $0x80, s31, s14, $0xb8;
	[tilespmem:$0x1E800] =	vst v63  }
0x73: {  	_ =	swait.ge [sflag:s20], $0x4000  }
0x74: {  	[sflag:s20] =	ssyncset.done $0x0  }
0x75: {  	[sflag:s20] =	ssyncadd.s32 $0xFFFFC000  }
.Ltmp5:
0x76: {  	(pc) =	sbr.rel .LBB2_5-.Ltmp5, $3  }
0x77: {  	_ =	sdelay $0x1  }
0x78: {  	s25 =	sadd.s32 $0x1400, s25;
	s24 =	sadd.s32 $0x400, s24  }
0x79: {  	[tilespmem:s15], [sflag:$0x1] =	stream.indirect.gather [hbm4b:s3+s14], $0x80, s25, s14, $0xb8;
	[tilespmem:$0x1E800] =	vst v63  }
.LBB2_8:
0x7a: {  	_ =	sfence.sel $0x180000  }
0x7b: {  	[bflag:$0x0] =	sbarrier.arrive $0xFFFF  }
0x7c: {  	_ =	strace $0x9000004A  }
0x7d: {  	s0 =	sadd.s32 @!p0 $0x100000, s0;
	[bflag:$0x2] =	sbarrier.arrive $0xFFFF  }
0x7e: {  	[sflag:s0] =	ssyncadd.tile.s32 @!p0 $0x1;
	_ =	shalt  }
.Lfunc_end2:
_tile_overlayer_lowered:
.L_overlay_start_2:
0x7f: {  	(tag) =	ssettag $0x2  }
0x80: {  	s0 =	rddreg [dreg:$0x0];
	s2 =	stileid.u32  }
0x81: {  	s1 =	rddreg [dreg:$0x1];
	p0 =	sne.s32 s2, $0x0  }
0x82: {  	s3 =	rddreg [dreg:$0x2];
	[bflag:$0x3] =	sbarrier.arrive $0xFFFF;
	s2 =	simm.s32 @!p0 $0x1C05  }
0x83: {  	[timem:s3], [sflag:s2] =	dma.local @!p0 [hbm:s0], s1  }
0x84: {  	s0 =	simm.s32 @!p0 $0x5  }
0x85: {  	_ =	swait.ge @!p0 [sflag:s0], s1  }
0x86: {  	s1 =	ssub.s32 @!p0 $0x0, s1;
	[sflag:s0] =	ssyncset.done @!p0 $0x0  }
0x87: {  	[sflag:s0] =	ssyncadd.s32 @!p0 s1  }
0x88: {  	[bflag:$0x3] =	sbarrier.arrive $0xFFFF  }
0x89: {  	_ =	shalt  }

// kernel: kernel.14.cloned.1.call-start
scs
__scs_entry_jumppad:
0x0: {  	(pc) =	sbr.rel $0x88, $3  }
0x1: {  	(tag) =	ssettag $0x0;
	lr =	simm.s32 $0x1  }
0x2: {  	[smem:$0x3F9A] =	sst lr;
	_ =	strace $0xD0000000  }
0x3: {  	_ = 	snop  }
0x4: {  	_ = 	snop  }
0x5: {  	_ = 	snop  }
0x6: {  	_ = 	snop  }
0x7: {  	_ = 	snop  }
__scs_overlays_trampoline_lowered:
0x8: {  	[smem:$0x3FA9] =	sst s0  }
0x9: {  	[smem:$0x3FAA] =	sst s1  }
0xa: {  	[smem:$0x3FAB] =	sst s2  }
0xb: {  	[smem:$0x3FAC] =	sst s3  }
0xc: {  	[smem:$0x3FAD] =	sst s4  }
0xd: {  	[smem:$0x3FAE] =	sst s5  }
0xe: {  	[smem:$0x3FAF] =	sst s6  }
0xf: {  	[smem:$0x3FB0] =	sst s7  }
0x10: {  	[smem:$0x3FB1] =	sst s8  }
0x11: {  	[smem:$0x3FB2] =	sst s9;
	s0 =	simm.s32 @!p0 $0x0  }
0x12: {  	s1 =	sld [smem:$0x3F98];
	s0 =	simm.s32 @p0 $0x1  }
0x13: {  	[smem:$0x3FB3] =	sst s0;
	s0 =	simm.s32 @!p1 $0x0  }
0x14: {  	s2 =	sld [smem:$0x3F97];
	s0 =	simm.s32 @p1 $0x1  }
0x15: {  	[smem:$0x3FB4] =	sst s0;
	s0 =	simm.s32 @!p2 $0x0  }
0x16: {  	s3 =	sld [smem:$0x3FDB];
	s0 =	simm.s32 @p2 $0x1  }
0x17: {  	s4 =	simm.s32 $0x1BF5;
	[smem:$0x3FB6] =	sst s0  }
0x18: {  	s0 =	sld [smem:$0x3F99];
	_ =	swait.ge [sflag:s4], $0x0  }
0x19: {  	s7 =	sld [smem:$0x3F9A]  }
0x1a: {  	s8 =	sadd.s32 $0xFFFFE003, lr  }
0x1b: {  	s9 =	sadd.s32 $0xFFFFFEF7, lr;
	s5 =	simm.s32 $0xFFFFFFFF;
	p2 =	slt.u32 s8, $0xFFFFF086  }
0x1c: {  	p1 =	slt.u32 s9, $0xF7A;
	s5 =	simm.s32 @!p2 $0x0  }
0x1d: {  	s5 =	simm.s32 @p1 $0x1;
	p0 =	seq.s32 s7, s2  }
0x1e: {  	s7 =	smul.u32 @!p0 $0xF7A, s2;
	p2 =	seq.s32 @!p0 s5, $0x0  }
0x1f: {  	s9 =	smul.u32 $0xF7A, s1;
	s8 =	simm.s32 @!p0 $0x1BF5;
	p2 =	por !p2, p0  }
0x20: {  	[sflag:s8] =	ssyncset.s32 @!p0 $0xFFFFF086;
	s6 =	sadd.s32 @!p0 s3, s7;
	s7 =	simm.s32 @!p0 $0x108  }
0x21: {  	s3 =	sadd.s32 s3, s9;
	s6 =	sadd.s32 @!p0 $0x88, s6;
	s7 =	simm.s32 @p2 $0x1082  }
0x22: {  	[simem:s7], [sflag:s8] =	dma.local @!p0 [hbm:s6], $0xF7A  }
0x23: {  	s9 =	sor.u32 $0xD0000000, s2;
	s6 =	simm.s32 $0x108;
	_ =	swait.ge @!p0 [sflag:s8], $0x0  }
0x24: {  	s3 =	sadd.s32 $0x88, s3;
	s6 =	simm.s32 @!p1 $0x1082;
	[sflag:s4] =	ssyncset.s32 $0xFFFFF086  }
0x25: {  	[simem:s6], [sflag:s4] =	dma.local [hbm:s3], $0xF7A  }
0x26: {  	[smem:$0x3F9A] =	sst s1;
	(tag) =	ssettag s2;
	_ =	strace s9  }
0x27: {  	s1 =	sld [smem:$0x3FAA]  }
0x28: {  	s2 =	sld [smem:$0x3FAB]  }
0x29: {  	s4 =	sld [smem:$0x3FAD]  }
0x2a: {  	p0 =	seq.s32 s5, $0x0;
	s5 =	sld [smem:$0x3FAE]  }
0x2b: {  	s6 =	sld [smem:$0x3FAF]  }
0x2c: {  	s7 =	sld [smem:$0x3FB0]  }
0x2d: {  	s3 =	simm.s32 $0x108;
	s8 =	sld [smem:$0x3FB1]  }
0x2e: {  	s3 =	simm.s32 @!p0 $0x1082;
	s9 =	sld [smem:$0x3FB2]  }
0x2f: {  	lr =	sadd.s32 s0, s3;
	s0 =	sld [smem:$0x3FA9]  }
0x30: {  	s3 =	sld [smem:$0x3FAC]  }
0x31: {  	[smem:$0x3FB5] =	sst s10  }
0x32: {  	s10 =	sld [smem:$0x3FB3];
	_ =	sdelay $0x3  }
0x33: {  	p0 =	seq.s32 s10, $0x1;
	s10 =	sld [smem:$0x3FB5];
	_ =	sdelay $0x3  }
0x34: {  	[smem:$0x3FB5] =	sst s10  }
0x35: {  	s10 =	sld [smem:$0x3FB4];
	_ =	sdelay $0x3  }
0x36: {  	p1 =	seq.s32 s10, $0x1;
	s10 =	sld [smem:$0x3FB5];
	_ =	sdelay $0x3  }
0x37: {  	[smem:$0x3FB5] =	sst s10  }
0x38: {  	s10 =	sld [smem:$0x3FB6]  }
0x39: {  	_ = 	snop;
	(pc) =	sbr.ind lr, $3  }
0x3a: {  	_ = 	snop  }
0x3b: {  	_ = 	snop  }
0x3c: {  	p2 =	seq.s32 s10, $0x1;
	s10 =	sld [smem:$0x3FB5]  }
0x3d: {  	_ =	shalt  }
0x3e: {  	_ =	shalt  }
0x3f: {  	_ =	shalt  }
0x40: {  	_ =	shalt  }
0x41: {  	_ =	shalt  }
0x42: {  	_ =	shalt  }
0x43: {  	_ =	shalt  }
0x44: {  	_ =	shalt  }
0x45: {  	_ =	shalt  }
0x46: {  	_ =	shalt  }
0x47: {  	_ =	shalt  }
0x48: {  	_ =	shalt  }
0x49: {  	_ =	shalt  }
0x4a: {  	_ =	shalt  }
0x4b: {  	_ =	shalt  }
0x4c: {  	_ =	shalt  }
0x4d: {  	_ =	shalt  }
0x4e: {  	_ =	shalt  }
0x4f: {  	_ =	shalt  }
0x50: {  	_ =	shalt  }
0x51: {  	_ =	shalt  }
0x52: {  	_ =	shalt  }
0x53: {  	_ =	shalt  }
0x54: {  	_ =	shalt  }
0x55: {  	_ =	shalt  }
0x56: {  	_ =	shalt  }
0x57: {  	_ =	shalt  }
0x58: {  	_ =	shalt  }
0x59: {  	_ =	shalt  }
0x5a: {  	_ =	shalt  }
0x5b: {  	_ =	shalt  }
0x5c: {  	_ =	shalt  }
0x5d: {  	_ =	shalt  }
0x5e: {  	_ =	shalt  }
0x5f: {  	_ =	shalt  }
0x60: {  	_ =	shalt  }
0x61: {  	_ =	shalt  }
0x62: {  	_ =	shalt  }
0x63: {  	_ =	shalt  }
0x64: {  	_ =	shalt  }
0x65: {  	_ =	shalt  }
0x66: {  	_ =	shalt  }
0x67: {  	_ =	shalt  }
0x68: {  	_ =	shalt  }
0x69: {  	_ =	shalt  }
0x6a: {  	_ =	shalt  }
0x6b: {  	_ =	shalt  }
0x6c: {  	_ =	shalt  }
0x6d: {  	_ =	shalt  }
0x6e: {  	_ =	shalt  }
0x6f: {  	_ =	shalt  }
0x70: {  	_ =	shalt  }
0x71: {  	_ =	shalt  }
0x72: {  	_ =	shalt  }
0x73: {  	_ =	shalt  }
0x74: {  	_ =	shalt  }
0x75: {  	_ =	shalt  }
0x76: {  	_ =	shalt  }
0x77: {  	_ =	shalt  }
0x78: {  	_ =	shalt  }
0x79: {  	_ =	shalt  }
0x7a: {  	_ =	shalt  }
0x7b: {  	_ =	shalt  }
0x7c: {  	_ =	shalt  }
0x7d: {  	_ =	shalt  }
0x7e: {  	_ =	shalt  }
0x7f: {  	_ =	shalt  }
0x80: {  	_ =	shalt  }
0x81: {  	_ =	shalt  }
0x82: {  	_ =	shalt  }
0x83: {  	_ =	shalt  }
0x84: {  	_ =	shalt  }
0x85: {  	_ =	shalt  }
0x86: {  	_ =	shalt  }
0x87: {  	_ =	shalt  }
.Lfunc_end0:
.L_simem_size_0:
called_computation.2_lowered:
.L_overlay_start_0:
0x88: {  	s2 =	sld [smem:$0x3FD9]  }
0x89: {  	s3 =	sld [smem:$0x3FFE];
	_ =	sdelay $0x1  }
0x8a: {  	s1 =	srdreg.scid  }
0x8b: {  	s0 =	sand.u32 $0x1, s1  }
0x8c: {  	s16 =	sshll.u32 s0, $0xA;
	s2 =	sadd.s32 s3, s2  }
0x8d: {  	s2 =	sadd.s32 s2, s16  }
0x8e: {  	[smem:$0x3FC1] =	sst s2  }
0x8f: {  	_ = 	snop  }
0x90: {  	(tm) =	ssettm $0x1  }
0x91: {  	s17 =	sld [smem:$0x3FFB];
	_ =	sdelay $0x3  }
0x92: {  	_ =	strace s17  }
0x93: {  	s2 =	sld [smem:$0x3FFC];
	_ =	sdelay $0x3  }
0x94: {  	_ =	strace s2  }
0x95: {  	s2 =	sld [smem:$0x3FFD];
	_ =	sdelay $0x3  }
0x96: {  	_ =	strace s2  }
0x97: {  	_ =	strace $0x8FFFFFFF  }
0x98: {  	s18 =	sld [smem:$0x3FDB];
	_ =	sdelay $0x1  }
0x99: {  	s19 =	simm.s32 $_scs_section_size  }
0x9a: {  	s4 =	simm.s32 $_size__tile_overlayer_lowered;
	s5 =	simm.s32 $_tile_overlayer_lowered  }
0x9b: {  	s22 =	simm.s32 $0x1BFF;
	s21 =	sshll.u32 s5, $0x1;
	s2 =	sadd.s32 s19, s18  }
0x9c: {  	s6 =	simm.s32 $0x0;
	s20 =	sshll.u32 s4, $0x1;
	s4 =	sadd.s32 s21, s2  }
0x9d: {  	[timem:s6], [sflag:s22] =	dma.local [hbm:s4], s20  }
0x9e: {  	_ =	swait.ge [sflag:s22], s20  }
0x9f: {  	s3 =	ssub.s32 $0x0, s20;
	[sflag:s22] =	ssyncset.done $0x0  }
0xa0: {  	[sflag:s22] =	ssyncadd.s32 s3;
	_ =	sdelay $0x1  }
0xa1: {  	s23 =	simm.s32 $0x1B8B  }
0xa2: {  	_ =	swait.ge [sflag:s23], $0x1  }
0xa3: {  	[sflag:s23] =	ssyncset.done $0x0  }
0xa4: {  	s25 =	simm.s32 $0x1B8E;
	s24 =	sld [smem:$0x3FFE];
	[sflag:s23] =	ssyncadd.s32 $0xFFFFFFFF  }
0xa5: {  	s26 =	simm.s32 $execute0_lowered;
	[smem:$0x3FD2] =	sst s25  }
0xa6: {  	s4 =	sshll.u32 s26, $0x1;
	_ =	strace $0x8000004C;
	[dreg:$0x1] =	wrdreg $0xFFFFFFFF  }
0xa7: {  	s28 =	simm.s32 $_size_execute0_lowered;
	s2 =	sadd.s32 s2, s4;
	[dreg:$0x0] =	wrdreg $0x0  }
0xa8: {  	s4 =	sshll.u32 s28, $0x1;
	[dreg:$0x2] =	wrdreg s2  }
0xa9: {  	[dreg:$0x3] =	wrdreg s4  }
0xaa: {  	[dreg:$0x4] =	wrdreg $0xC0  }
0xab: {  	_ =	task [dreg:s6], $0x5FFFF  }
0xac: {  	[dreg:$0x1] =	wrdreg $0xFFFFFFFF  }
0xad: {  	[dreg:$0x0] =	wrdreg $0x60  }
0xae: {  	[dreg:$0x2] =	wrdreg s24  }
0xaf: {  	[dreg:$0x3] =	wrdreg $0xA8000  }
0xb0: {  	[dreg:$0x4] =	wrdreg $0x9  }
0xb1: {  	_ =	task.clear_ibuf [dreg:s6], $0x5FFFF;
	_ =	strace $0x9000004C  }
0xb2: {  	s29 =	simm.s32 $0x9;
	_ =	strace $0x8000004E  }
0xb3: {  	_ =	swait.ge [sflag:s29], $0x1  }
0xb4: {  	[sflag:s29] =	ssyncadd.s32 $0xFFFFFFFF  }
0xb5: {  	_ =	strace $0x9000004E  }
0xb6: {  	_ =	sfence  }
0xb7: {  	s30 =	sld [smem:$0x0];
	_ =	sdelay $0x2  }
0xb8: {  	s31 =	sshll.u32 s1, $0xD;
	s1 =	sshrl.u32 s1, $0x2  }
0xb9: {  	s3 =	sand.u32 $0x4000, s31;
	s1 =	sadd.s32 s1, s30  }
0xba: {  	s0 =	sor.u32 s3, s0;
	s1 =	sshll.u32 s1, $0x11  }
0xbb: {  	s0 =	sor.u32 s1, s0  }
0xbc: {  	s0 =	sadd.s32 $0x8F2B, s0  }
0xbd: {  	[sflag:s0] =	ssyncadd.remote.s32 $0x1  }
0xbe: {  	_ =	sfence.sel $0xFFFF  }
0xbf: {  	[dreg:$0x0] =	wrdreg $0xFFFFFFFF;
	(pc) =	sbr.abs _section_cstart, $3  }
0xc0: {  	[dreg:$0x1] =	wrdreg $0xFFFFFFFF  }
0xc1: {  	_ =	task.clear_ibuf [dreg:s6], $0x2FFFF;
	_ =	strace $0x9FFFFFFF  }
0xc2: {  	(tm) =	ssettm $0x7FFFFFFF  }
0xc3: {  	_ =	shalt  }
tec
execute0_lowered:
.L_overlay_start_1:
0x0: {  	(tag) =	ssettag $0x1  }
0x1: {  	s5 =	rddreg [dreg:$0x0]  }
0x2: {  	s1 =	rddreg [dreg:$0x1]  }
0x3: {  	s0 =	rddreg [dreg:$0x2]  }
0x4: {  	s2 =	simm.s32 $0x0;
	s3 =	srdreg.scid;
	s9 =	stileid.u32  }
0x5: {  	s15 =	simm.s32 $0x2800;
	s16 =	simm.s32 $0x1;
	s17 =	simm.s32 $0x6800  }
0x6: {  	s18 =	simm.s32 $0x2;
	s19 =	simm.s32 $0x1480;
	s20 =	simm.s32 $0x3  }
0x7: {  	s21 =	simm.s32 $0x100;
	s22 =	simm.s32 $0x4;
	s23 =	simm.s32 $0x0  }
0x8: {  	[smem:$0x7FF] =	sst s2;
	s4 =	sand.u32 $0x1, s3;
	s3 =	sadd.s32 $0x16600, s5  }
0x9: {  	s7 =	sadd.s32 $0x2600, s5;
	s10 =	sadd.s32 $0xC600, s5;
	s6 =	sshll.u32 s4, $0x4  }
0xa: {  	p0 =	sne.s32 s9, $0x0;
	s8 =	smul.u32 $0x28000, s4;
	s6 =	sor.u32 s9, s6  }
0xb: {  	_ =	strace $0x8000004D;
	s11 =	ssub.s32 $0x2, s4;
	s12 =	smul.u32 $0x2800, s6  }
0xc: {  	s4 =	sadd.s32 $0x8E600, s5;
	s13 =	sshrl.u32 s11, $0x1;
	s6 =	smul.u32 $0x500, s6  }
.Ltmp0:
0xd: {  	s14 =	sadd.s32 s8, s5;
	s11 =	ssub.s32 s11, s13;
	(pc) =	sbr.rel .LBB2_1-.Ltmp0, $4  }
0xe: {  	s13 =	simm.s32 $0x1400;
	s9 =	sadd.s32 $0xB6600, s14;
	s31 =	sshrl.u32 s12, $0x3  }
0xf: {  	s14 =	simm.s32 $0x80;
	s5 =	sadd.s32 s7, s6;
	s8 =	sadd.s32 $0x280, s31  }
0x10: {  	s6 =	sadd.s32 s10, s6;
	s12 =	simm.s32 $0x5;
	s7 =	sadd.s32 s7, s8  }
0x11: {  	s8 =	sadd.s32 s10, s8;
	s10 =	smax.u32 s11, $0x1;
	s11 =	sshrl.u32 @!p0 s1, $0x3  }
.LBB2_7:
0x12: {  	_ =	swait.ge [sflag:s22], $0x4000  }
0x13: {  	[sflag:s22] =	ssyncset.done $0x0  }
0x14: {  	s23 =	sadd.s32 $0x1, s23;
	[sflag:s22] =	ssyncadd.s32 $0xFFFFC000  }
0x15: {  	s24 =	simm.s32 @!p0 $0x1C05;
	p1 =	sne.s32 s23, s10;
	[bflag:$0x0] =	sbarrier.arrive $0xFFFF  }
0x16: {  	[hbm:s9], [sflag:s24] =	dma.local @!p0 [spmem:s11], $0x28000  }
.Ltmp1:
0x17: {  	_ = 	snop;
	(pc) =	sbr.rel @!p1 .LBB2_8-.Ltmp1, $4  }
0x18: {  	s24 =	simm.s32 @!p0 $0x5  }
0x19: {  	_ =	swait.ge @!p0 [sflag:s24], $0x28000  }
0x1a: {  	[sflag:s24] =	ssyncset.done @!p0 $0x0  }
0x1b: {  	[sflag:s24] =	ssyncadd.s32 @!p0 $0xFFFD8000  }
.LBB2_1:
0x1c: {  	s24 =	simm.s32 @!p0 $0x1C05  }
0x1d: {  	[spmem:s11], [sflag:s24] =	dma.local @!p0 [hbm:s4], $0x28000  }
0x1e: {  	s24 =	simm.s32 @!p0 $0x5  }
0x1f: {  	_ =	swait.ge @!p0 [sflag:s24], $0x28000  }
0x20: {  	[sflag:s24] =	ssyncset.done @!p0 $0x0  }
0x21: {  	[sflag:s24] =	ssyncadd.s32 @!p0 $0xFFFD8000  }
0x22: {  	[bflag:$0x0] =	sbarrier.arrive $0xFFFF  }
0x23: {  	[tilespmem:s2], [sflag:$0x5] =	stream.linear.gather [hbm4b:s5+s2], $0x1400, $0x38;
	[tilespmem:$0x1E800] =	vst v63  }
0x24: {  	_ =	swait.ge [sflag:s12], $0x1400  }
0x25: {  	[sflag:s12] =	ssyncset.done $0x0  }
0x26: {  	[sflag:s12] =	ssyncadd.s32 $0xFFFFEC00  }
0x27: {  	[tilespmem:s13], [sflag:$0x5] =	stream.linear.gather [hbm4b:s6+s2], $0x1400, $0x38;
	[tilespmem:$0x1E800] =	vst v63  }
0x28: {  	_ =	swait.ge [sflag:s12], $0x1400  }
0x29: {  	[sflag:s12] =	ssyncset.done $0x0  }
0x2a: {  	[sflag:s12] =	ssyncadd.s32 $0xFFFFEC00  }
0x2b: {  	[tilespmem:s15], [sflag:$0x1] =	stream.indirect.gather [hbm4b:s3+s14], $0x80, s2, s14, $0xb8;
	[tilespmem:$0x1E800] =	vst v63  }
0x2c: {  	_ =	swait.ge [sflag:s16], $0x4000  }
0x2d: {  	[sflag:s16] =	ssyncset.done $0x0  }
0x2e: {  	[sflag:s16] =	ssyncadd.s32 $0xFFFFC000  }
0x2f: {  	[spmem:s1] =	stream.indirect.scatter.add.f32 [tilespmem:s15], [sflag:$0x3], $0x80, s13, s14, $0xb8;
	[tilespmem:$0x1E800] =	vst v63  }
0x30: {  	_ = 	snop  }
0x31: {  	[tilespmem:s17], [sflag:$0x2] =	stream.indirect.gather [hbm4b:s3+s14], $0x80, s14, s14, $0xb8;
	[tilespmem:$0x1E800] =	vst v63  }
0x32: {  	_ =	swait.ge [sflag:s18], $0x4000  }
0x33: {  	[sflag:s18] =	ssyncset.done $0x0  }
0x34: {  	[sflag:s18] =	ssyncadd.s32 $0xFFFFC000  }
0x35: {  	[spmem:s1] =	stream.indirect.scatter.add.f32 [tilespmem:s17], [sflag:$0x4], $0x80, s19, s14, $0xb8;
	[tilespmem:$0x1E800] =	vst v63  }
0x36: {  	_ =	swait.ge [sflag:s20], $0x4000  }
0x37: {  	[sflag:s20] =	ssyncset.done $0x0  }
0x38: {  	s24 =	simm.s32 $0xFFFFB800;
	[sflag:s20] =	ssyncadd.s32 $0xFFFFC000  }
0x39: {  	[tilespmem:s15], [sflag:$0x1] =	stream.indirect.gather [hbm4b:s3+s14], $0x80, s21, s14, $0xb8;
	[tilespmem:$0x1E800] =	vst v63  }
.LBB2_2:
0x3a: {  	_ =	swait.ge [sflag:s16], $0x4000  }
0x3b: {  	s25 =	sshra.s32 s24, $0x2;
	[sflag:s16] =	ssyncset.done $0x0  }
0x3c: {  	s26 =	sadd.s32 $0x2700, s25;
	[sflag:s16] =	ssyncadd.s32 $0xFFFFC000  }
0x3d: {  	[spmem:s1] =	stream.indirect.scatter.add.f32 [tilespmem:s15], [sflag:$0x3], $0x80, s26, s14, $0xb8;
	[tilespmem:$0x1E800] =	vst v63  }
0x3e: {  	_ =	swait.ge [sflag:s22], $0x4000  }
0x3f: {  	[sflag:s22] =	ssyncset.done $0x0  }
0x40: {  	s30 =	sadd.s32 $0x1380, s25;
	[sflag:s22] =	ssyncadd.s32 $0xFFFFC000  }
0x41: {  	[tilespmem:s17], [sflag:$0x2] =	stream.indirect.gather [hbm4b:s3+s14], $0x80, s30, s14, $0xb8;
	[tilespmem:$0x1E800] =	vst v63  }
0x42: {  	_ =	swait.ge [sflag:s18], $0x4000  }
0x43: {  	p1 =	seq.s32 s24, $0x0;
	[sflag:s18] =	ssyncset.done $0x0  }
.Ltmp2:
0x44: {  	s31 =	sadd.s32 $0x2780, s25;
	[sflag:s18] =	ssyncadd.s32 $0xFFFFC000;
	(pc) =	sbr.rel @p1 .LBB2_4-.Ltmp2, $4  }
0x45: {  	[spmem:s1] =	stream.indirect.scatter.add.f32 [tilespmem:s17], [sflag:$0x4], $0x80, s31, s14, $0xb8;
	[tilespmem:$0x1E800] =	vst v63  }
0x46: {  	_ =	swait.ge [sflag:s20], $0x4000  }
0x47: {  	[sflag:s20] =	ssyncset.done $0x0  }
0x48: {  	[sflag:s20] =	ssyncadd.s32 $0xFFFFC000  }
.Ltmp3:
0x49: {  	(pc) =	sbr.rel .LBB2_2-.Ltmp3, $3  }
0x4a: {  	_ =	sdelay $0x1  }
0x4b: {  	s25 =	sadd.s32 $0x1400, s25;
	s24 =	sadd.s32 $0x400, s24  }
0x4c: {  	[tilespmem:s15], [sflag:$0x1] =	stream.indirect.gather [hbm4b:s3+s14], $0x80, s25, s14, $0xb8;
	[tilespmem:$0x1E800] =	vst v63  }
.LBB2_4:
0x4d: {  	_ =	swait.ge [sflag:s22], $0x4000  }
0x4e: {  	[sflag:s22] =	ssyncset.done $0x0  }
0x4f: {  	[sflag:s22] =	ssyncadd.s32 $0xFFFFC000  }
0x50: {  	[tilespmem:s2], [sflag:$0x5] =	stream.linear.gather [hbm4b:s7+s2], $0x1400, $0x38;
	[tilespmem:$0x1E800] =	vst v63  }
0x51: {  	_ =	swait.ge [sflag:s12], $0x1400  }
0x52: {  	[sflag:s12] =	ssyncset.done $0x0  }
0x53: {  	[sflag:s12] =	ssyncadd.s32 $0xFFFFEC00  }
0x54: {  	[tilespmem:s13], [sflag:$0x5] =	stream.linear.gather [hbm4b:s8+s2], $0x1400, $0x38;
	[tilespmem:$0x1E800] =	vst v63  }
0x55: {  	_ =	swait.ge [sflag:s12], $0x1400  }
0x56: {  	[sflag:s12] =	ssyncset.done $0x0  }
0x57: {  	[sflag:s12] =	ssyncadd.s32 $0xFFFFEC00  }
0x58: {  	[tilespmem:s15], [sflag:$0x1] =	stream.indirect.gather [hbm4b:s3+s14], $0x80, s2, s14, $0xb8;
	[tilespmem:$0x1E800] =	vst v63  }
0x59: {  	_ =	swait.ge [sflag:s16], $0x4000  }
0x5a: {  	[sflag:s16] =	ssyncset.done $0x0  }
0x5b: {  	[sflag:s16] =	ssyncadd.s32 $0xFFFFC000  }
0x5c: {  	[spmem:s1] =	stream.indirect.scatter.add.f32 [tilespmem:s15], [sflag:$0x3], $0x80, s13, s14, $0xb8;
	[tilespmem:$0x1E800] =	vst v63  }
0x5d: {  	_ = 	snop  }
0x5e: {  	[tilespmem:s17], [sflag:$0x2] =	stream.indirect.gather [hbm4b:s3+s14], $0x80, s14, s14, $0xb8;
	[tilespmem:$0x1E800] =	vst v63  }
0x5f: {  	_ =	swait.ge [sflag:s18], $0x4000  }
0x60: {  	[sflag:s18] =	ssyncset.done $0x0  }
0x61: {  	[sflag:s18] =	ssyncadd.s32 $0xFFFFC000  }
0x62: {  	[spmem:s1] =	stream.indirect.scatter.add.f32 [tilespmem:s17], [sflag:$0x4], $0x80, s19, s14, $0xb8;
	[tilespmem:$0x1E800] =	vst v63  }
0x63: {  	_ =	swait.ge [sflag:s20], $0x4000  }
0x64: {  	[sflag:s20] =	ssyncset.done $0x0  }
0x65: {  	s24 =	simm.s32 $0xFFFFB800;
	[sflag:s20] =	ssyncadd.s32 $0xFFFFC000  }
0x66: {  	[tilespmem:s15], [sflag:$0x1] =	stream.indirect.gather [hbm4b:s3+s14], $0x80, s21, s14, $0xb8;
	[tilespmem:$0x1E800] =	vst v63  }
.LBB2_5:
0x67: {  	_ =	swait.ge [sflag:s16], $0x4000  }
0x68: {  	s25 =	sshra.s32 s24, $0x2;
	[sflag:s16] =	ssyncset.done $0x0  }
0x69: {  	s26 =	sadd.s32 $0x2700, s25;
	[sflag:s16] =	ssyncadd.s32 $0xFFFFC000  }
0x6a: {  	[spmem:s1] =	stream.indirect.scatter.add.f32 [tilespmem:s15], [sflag:$0x3], $0x80, s26, s14, $0xb8;
	[tilespmem:$0x1E800] =	vst v63  }
0x6b: {  	_ =	swait.ge [sflag:s22], $0x4000  }
0x6c: {  	[sflag:s22] =	ssyncset.done $0x0  }
0x6d: {  	s30 =	sadd.s32 $0x1380, s25;
	[sflag:s22] =	ssyncadd.s32 $0xFFFFC000  }
0x6e: {  	[tilespmem:s17], [sflag:$0x2] =	stream.indirect.gather [hbm4b:s3+s14], $0x80, s30, s14, $0xb8;
	[tilespmem:$0x1E800] =	vst v63  }
0x6f: {  	_ =	swait.ge [sflag:s18], $0x4000  }
0x70: {  	p1 =	seq.s32 s24, $0x0;
	[sflag:s18] =	ssyncset.done $0x0  }
.Ltmp4:
0x71: {  	s31 =	sadd.s32 $0x2780, s25;
	[sflag:s18] =	ssyncadd.s32 $0xFFFFC000;
	(pc) =	sbr.rel @p1 .LBB2_7-.Ltmp4, $4  }
0x72: {  	[spmem:s1] =	stream.indirect.scatter.add.f32 [tilespmem:s17], [sflag:$0x4], $0x80, s31, s14, $0xb8;
	[tilespmem:$0x1E800] =	vst v63  }
0x73: {  	_ =	swait.ge [sflag:s20], $0x4000  }
0x74: {  	[sflag:s20] =	ssyncset.done $0x0  }
0x75: {  	[sflag:s20] =	ssyncadd.s32 $0xFFFFC000  }
.Ltmp5:
0x76: {  	(pc) =	sbr.rel .LBB2_5-.Ltmp5, $3  }
0x77: {  	_ =	sdelay $0x1  }
0x78: {  	s25 =	sadd.s32 $0x1400, s25;
	s24 =	sadd.s32 $0x400, s24  }
0x79: {  	[tilespmem:s15], [sflag:$0x1] =	stream.indirect.gather [hbm4b:s3+s14], $0x80, s25, s14, $0xb8;
	[tilespmem:$0x1E800] =	vst v63  }
.LBB2_8:
0x7a: {  	_ =	sfence.sel $0x180000  }
0x7b: {  	[bflag:$0x0] =	sbarrier.arrive $0xFFFF  }
0x7c: {  	_ =	strace $0x9000004D  }
0x7d: {  	s0 =	sadd.s32 @!p0 $0x100000, s0;
	[bflag:$0x2] =	sbarrier.arrive $0xFFFF  }
0x7e: {  	[sflag:s0] =	ssyncadd.tile.s32 @!p0 $0x1;
	_ =	shalt  }
.Lfunc_end2:
_tile_overlayer_lowered:
.L_overlay_start_2:
0x7f: {  	(tag) =	ssettag $0x2  }
0x80: {  	s0 =	rddreg [dreg:$0x0];
	s2 =	stileid.u32  }
0x81: {  	s1 =	rddreg [dreg:$0x1];
	p0 =	sne.s32 s2, $0x0  }
0x82: {  	s3 =	rddreg [dreg:$0x2];
	[bflag:$0x3] =	sbarrier.arrive $0xFFFF;
	s2 =	simm.s32 @!p0 $0x1C05  }
0x83: {  	[timem:s3], [sflag:s2] =	dma.local @!p0 [hbm:s0], s1  }
0x84: {  	s0 =	simm.s32 @!p0 $0x5  }
0x85: {  	_ =	swait.ge @!p0 [sflag:s0], s1  }
0x86: {  	s1 =	ssub.s32 @!p0 $0x0, s1;
	[sflag:s0] =	ssyncset.done @!p0 $0x0  }
0x87: {  	[sflag:s0] =	ssyncadd.s32 @!p0 s1  }
0x88: {  	[bflag:$0x3] =	sbarrier.arrive $0xFFFF  }
0x89: {  	_ =	shalt  }

// kernel: kernel.8.cloned.1.call-start
scs
__scs_entry_jumppad:
0x0: {  	(pc) =	sbr.rel $0x88, $3  }
0x1: {  	(tag) =	ssettag $0x0;
	lr =	simm.s32 $0x1  }
0x2: {  	[smem:$0x3F9A] =	sst lr;
	_ =	strace $0xD0000000  }
0x3: {  	_ = 	snop  }
0x4: {  	_ = 	snop  }
0x5: {  	_ = 	snop  }
0x6: {  	_ = 	snop  }
0x7: {  	_ = 	snop  }
__scs_overlays_trampoline_lowered:
0x8: {  	[smem:$0x3FA9] =	sst s0  }
0x9: {  	[smem:$0x3FAA] =	sst s1  }
0xa: {  	[smem:$0x3FAB] =	sst s2  }
0xb: {  	[smem:$0x3FAC] =	sst s3  }
0xc: {  	[smem:$0x3FAD] =	sst s4  }
0xd: {  	[smem:$0x3FAE] =	sst s5  }
0xe: {  	[smem:$0x3FAF] =	sst s6  }
0xf: {  	[smem:$0x3FB0] =	sst s7  }
0x10: {  	[smem:$0x3FB1] =	sst s8  }
0x11: {  	[smem:$0x3FB2] =	sst s9;
	s0 =	simm.s32 @!p0 $0x0  }
0x12: {  	s1 =	sld [smem:$0x3F98];
	s0 =	simm.s32 @p0 $0x1  }
0x13: {  	[smem:$0x3FB3] =	sst s0;
	s0 =	simm.s32 @!p1 $0x0  }
0x14: {  	s2 =	sld [smem:$0x3F97];
	s0 =	simm.s32 @p1 $0x1  }
0x15: {  	[smem:$0x3FB4] =	sst s0;
	s0 =	simm.s32 @!p2 $0x0  }
0x16: {  	s3 =	sld [smem:$0x3FDB];
	s0 =	simm.s32 @p2 $0x1  }
0x17: {  	s4 =	simm.s32 $0x1BF5;
	[smem:$0x3FB6] =	sst s0  }
0x18: {  	s0 =	sld [smem:$0x3F99];
	_ =	swait.ge [sflag:s4], $0x0  }
0x19: {  	s7 =	sld [smem:$0x3F9A]  }
0x1a: {  	s8 =	sadd.s32 $0xFFFFE003, lr  }
0x1b: {  	s9 =	sadd.s32 $0xFFFFFEF7, lr;
	s5 =	simm.s32 $0xFFFFFFFF;
	p2 =	slt.u32 s8, $0xFFFFF086  }
0x1c: {  	p1 =	slt.u32 s9, $0xF7A;
	s5 =	simm.s32 @!p2 $0x0  }
0x1d: {  	s5 =	simm.s32 @p1 $0x1;
	p0 =	seq.s32 s7, s2  }
0x1e: {  	s7 =	smul.u32 @!p0 $0xF7A, s2;
	p2 =	seq.s32 @!p0 s5, $0x0  }
0x1f: {  	s9 =	smul.u32 $0xF7A, s1;
	s8 =	simm.s32 @!p0 $0x1BF5;
	p2 =	por !p2, p0  }
0x20: {  	[sflag:s8] =	ssyncset.s32 @!p0 $0xFFFFF086;
	s6 =	sadd.s32 @!p0 s3, s7;
	s7 =	simm.s32 @!p0 $0x108  }
0x21: {  	s3 =	sadd.s32 s3, s9;
	s6 =	sadd.s32 @!p0 $0x88, s6;
	s7 =	simm.s32 @p2 $0x1082  }
0x22: {  	[simem:s7], [sflag:s8] =	dma.local @!p0 [hbm:s6], $0xF7A  }
0x23: {  	s9 =	sor.u32 $0xD0000000, s2;
	s6 =	simm.s32 $0x108;
	_ =	swait.ge @!p0 [sflag:s8], $0x0  }
0x24: {  	s3 =	sadd.s32 $0x88, s3;
	s6 =	simm.s32 @!p1 $0x1082;
	[sflag:s4] =	ssyncset.s32 $0xFFFFF086  }
0x25: {  	[simem:s6], [sflag:s4] =	dma.local [hbm:s3], $0xF7A  }
0x26: {  	[smem:$0x3F9A] =	sst s1;
	(tag) =	ssettag s2;
	_ =	strace s9  }
0x27: {  	s1 =	sld [smem:$0x3FAA]  }
0x28: {  	s2 =	sld [smem:$0x3FAB]  }
0x29: {  	s4 =	sld [smem:$0x3FAD]  }
0x2a: {  	p0 =	seq.s32 s5, $0x0;
	s5 =	sld [smem:$0x3FAE]  }
0x2b: {  	s6 =	sld [smem:$0x3FAF]  }
0x2c: {  	s7 =	sld [smem:$0x3FB0]  }
0x2d: {  	s3 =	simm.s32 $0x108;
	s8 =	sld [smem:$0x3FB1]  }
0x2e: {  	s3 =	simm.s32 @!p0 $0x1082;
	s9 =	sld [smem:$0x3FB2]  }
0x2f: {  	lr =	sadd.s32 s0, s3;
	s0 =	sld [smem:$0x3FA9]  }
0x30: {  	s3 =	sld [smem:$0x3FAC]  }
0x31: {  	[smem:$0x3FB5] =	sst s10  }
0x32: {  	s10 =	sld [smem:$0x3FB3];
	_ =	sdelay $0x3  }
0x33: {  	p0 =	seq.s32 s10, $0x1;
	s10 =	sld [smem:$0x3FB5];
	_ =	sdelay $0x3  }
0x34: {  	[smem:$0x3FB5] =	sst s10  }
0x35: {  	s10 =	sld [smem:$0x3FB4];
	_ =	sdelay $0x3  }
0x36: {  	p1 =	seq.s32 s10, $0x1;
	s10 =	sld [smem:$0x3FB5];
	_ =	sdelay $0x3  }
0x37: {  	[smem:$0x3FB5] =	sst s10  }
0x38: {  	s10 =	sld [smem:$0x3FB6]  }
0x39: {  	_ = 	snop;
	(pc) =	sbr.ind lr, $3  }
0x3a: {  	_ = 	snop  }
0x3b: {  	_ = 	snop  }
0x3c: {  	p2 =	seq.s32 s10, $0x1;
	s10 =	sld [smem:$0x3FB5]  }
0x3d: {  	_ =	shalt  }
0x3e: {  	_ =	shalt  }
0x3f: {  	_ =	shalt  }
0x40: {  	_ =	shalt  }
0x41: {  	_ =	shalt  }
0x42: {  	_ =	shalt  }
0x43: {  	_ =	shalt  }
0x44: {  	_ =	shalt  }
0x45: {  	_ =	shalt  }
0x46: {  	_ =	shalt  }
0x47: {  	_ =	shalt  }
0x48: {  	_ =	shalt  }
0x49: {  	_ =	shalt  }
0x4a: {  	_ =	shalt  }
0x4b: {  	_ =	shalt  }
0x4c: {  	_ =	shalt  }
0x4d: {  	_ =	shalt  }
0x4e: {  	_ =	shalt  }
0x4f: {  	_ =	shalt  }
0x50: {  	_ =	shalt  }
0x51: {  	_ =	shalt  }
0x52: {  	_ =	shalt  }
0x53: {  	_ =	shalt  }
0x54: {  	_ =	shalt  }
0x55: {  	_ =	shalt  }
0x56: {  	_ =	shalt  }
0x57: {  	_ =	shalt  }
0x58: {  	_ =	shalt  }
0x59: {  	_ =	shalt  }
0x5a: {  	_ =	shalt  }
0x5b: {  	_ =	shalt  }
0x5c: {  	_ =	shalt  }
0x5d: {  	_ =	shalt  }
0x5e: {  	_ =	shalt  }
0x5f: {  	_ =	shalt  }
0x60: {  	_ =	shalt  }
0x61: {  	_ =	shalt  }
0x62: {  	_ =	shalt  }
0x63: {  	_ =	shalt  }
0x64: {  	_ =	shalt  }
0x65: {  	_ =	shalt  }
0x66: {  	_ =	shalt  }
0x67: {  	_ =	shalt  }
0x68: {  	_ =	shalt  }
0x69: {  	_ =	shalt  }
0x6a: {  	_ =	shalt  }
0x6b: {  	_ =	shalt  }
0x6c: {  	_ =	shalt  }
0x6d: {  	_ =	shalt  }
0x6e: {  	_ =	shalt  }
0x6f: {  	_ =	shalt  }
0x70: {  	_ =	shalt  }
0x71: {  	_ =	shalt  }
0x72: {  	_ =	shalt  }
0x73: {  	_ =	shalt  }
0x74: {  	_ =	shalt  }
0x75: {  	_ =	shalt  }
0x76: {  	_ =	shalt  }
0x77: {  	_ =	shalt  }
0x78: {  	_ =	shalt  }
0x79: {  	_ =	shalt  }
0x7a: {  	_ =	shalt  }
0x7b: {  	_ =	shalt  }
0x7c: {  	_ =	shalt  }
0x7d: {  	_ =	shalt  }
0x7e: {  	_ =	shalt  }
0x7f: {  	_ =	shalt  }
0x80: {  	_ =	shalt  }
0x81: {  	_ =	shalt  }
0x82: {  	_ =	shalt  }
0x83: {  	_ =	shalt  }
0x84: {  	_ =	shalt  }
0x85: {  	_ =	shalt  }
0x86: {  	_ =	shalt  }
0x87: {  	_ =	shalt  }
.Lfunc_end0:
.L_simem_size_0:
called_computation_lowered:
.L_overlay_start_0:
0x88: {  	s2 =	sld [smem:$0x3FD9]  }
0x89: {  	s3 =	sld [smem:$0x3FFE];
	_ =	sdelay $0x1  }
0x8a: {  	s1 =	srdreg.scid  }
0x8b: {  	s0 =	sand.u32 $0x1, s1  }
0x8c: {  	s16 =	sshll.u32 s0, $0xA;
	s2 =	sadd.s32 s3, s2  }
0x8d: {  	s2 =	sadd.s32 s2, s16  }
0x8e: {  	[smem:$0x3FC1] =	sst s2  }
0x8f: {  	_ = 	snop  }
0x90: {  	(tm) =	ssettm $0x1  }
0x91: {  	s17 =	sld [smem:$0x3FFB];
	_ =	sdelay $0x3  }
0x92: {  	_ =	strace s17  }
0x93: {  	s2 =	sld [smem:$0x3FFC];
	_ =	sdelay $0x3  }
0x94: {  	_ =	strace s2  }
0x95: {  	s2 =	sld [smem:$0x3FFD];
	_ =	sdelay $0x3  }
0x96: {  	_ =	strace s2  }
0x97: {  	_ =	strace $0x8FFFFFFF  }
0x98: {  	s18 =	sld [smem:$0x3FDB];
	_ =	sdelay $0x1  }
0x99: {  	s19 =	simm.s32 $_scs_section_size  }
0x9a: {  	s4 =	simm.s32 $_size__tile_overlayer_lowered;
	s5 =	simm.s32 $_tile_overlayer_lowered  }
0x9b: {  	s22 =	simm.s32 $0x1BFF;
	s21 =	sshll.u32 s5, $0x1;
	s2 =	sadd.s32 s19, s18  }
0x9c: {  	s6 =	simm.s32 $0x0;
	s20 =	sshll.u32 s4, $0x1;
	s4 =	sadd.s32 s21, s2  }
0x9d: {  	[timem:s6], [sflag:s22] =	dma.local [hbm:s4], s20  }
0x9e: {  	_ =	swait.ge [sflag:s22], s20  }
0x9f: {  	s3 =	ssub.s32 $0x0, s20;
	[sflag:s22] =	ssyncset.done $0x0  }
0xa0: {  	[sflag:s22] =	ssyncadd.s32 s3;
	_ =	sdelay $0x1  }
0xa1: {  	s23 =	simm.s32 $0x1B8B  }
0xa2: {  	_ =	swait.ge [sflag:s23], $0x1  }
0xa3: {  	[sflag:s23] =	ssyncset.done $0x0  }
0xa4: {  	s25 =	simm.s32 $0x1B8E;
	s24 =	sld [smem:$0x3FFE];
	[sflag:s23] =	ssyncadd.s32 $0xFFFFFFFF  }
0xa5: {  	s26 =	simm.s32 $execute0_lowered;
	[smem:$0x3FD2] =	sst s25  }
0xa6: {  	s4 =	sshll.u32 s26, $0x1;
	_ =	strace $0x80000046;
	[dreg:$0x1] =	wrdreg $0xFFFFFFFF  }
0xa7: {  	s28 =	simm.s32 $_size_execute0_lowered;
	s2 =	sadd.s32 s2, s4;
	[dreg:$0x0] =	wrdreg $0x0  }
0xa8: {  	s4 =	sshll.u32 s28, $0x1;
	[dreg:$0x2] =	wrdreg s2  }
0xa9: {  	[dreg:$0x3] =	wrdreg s4  }
0xaa: {  	[dreg:$0x4] =	wrdreg $0xC0  }
0xab: {  	_ =	task [dreg:s6], $0x5FFFF  }
0xac: {  	[dreg:$0x1] =	wrdreg $0xFFFFFFFF  }
0xad: {  	[dreg:$0x0] =	wrdreg $0x60  }
0xae: {  	[dreg:$0x2] =	wrdreg s24  }
0xaf: {  	[dreg:$0x3] =	wrdreg $0x68000  }
0xb0: {  	[dreg:$0x4] =	wrdreg $0x9  }
0xb1: {  	_ =	task.clear_ibuf [dreg:s6], $0x5FFFF;
	_ =	strace $0x90000046  }
0xb2: {  	s29 =	simm.s32 $0x9;
	_ =	strace $0x80000048  }
0xb3: {  	_ =	swait.ge [sflag:s29], $0x1  }
0xb4: {  	[sflag:s29] =	ssyncadd.s32 $0xFFFFFFFF  }
0xb5: {  	_ =	strace $0x90000048  }
0xb6: {  	_ =	sfence  }
0xb7: {  	s30 =	sld [smem:$0x0];
	_ =	sdelay $0x2  }
0xb8: {  	s31 =	sshll.u32 s1, $0xD;
	s1 =	sshrl.u32 s1, $0x2  }
0xb9: {  	s3 =	sand.u32 $0x4000, s31;
	s1 =	sadd.s32 s1, s30  }
0xba: {  	s0 =	sor.u32 s3, s0;
	s1 =	sshll.u32 s1, $0x11  }
0xbb: {  	s0 =	sor.u32 s1, s0  }
0xbc: {  	s0 =	sadd.s32 $0x8F2B, s0  }
0xbd: {  	[sflag:s0] =	ssyncadd.remote.s32 $0x1  }
0xbe: {  	_ =	sfence.sel $0xFFFF  }
0xbf: {  	[dreg:$0x0] =	wrdreg $0xFFFFFFFF;
	(pc) =	sbr.abs _section_cstart, $3  }
0xc0: {  	[dreg:$0x1] =	wrdreg $0xFFFFFFFF  }
0xc1: {  	_ =	task.clear_ibuf [dreg:s6], $0x2FFFF;
	_ =	strace $0x9FFFFFFF  }
0xc2: {  	(tm) =	ssettm $0x7FFFFFFF  }
0xc3: {  	_ =	shalt  }
tec
execute0_lowered:
.L_overlay_start_1:
0x0: {  	(tag) =	ssettag $0x1  }
0x1: {  	s0 =	srdreg.scid;
	s4 =	rddreg [dreg:$0x0]  }
0x2: {  	s6 =	stileid.u32;
	s1 =	rddreg [dreg:$0x1]  }
0x3: {  	s2 =	simm.s32 $0x0;
	s10 =	simm.s32 $0x2800;
	s11 =	simm.s32 $0x0  }
0x4: {  	s3 =	sand.u32 $0x1, s0;
	[smem:$0x7FF] =	sst s2;
	p0 =	sne.s32 s6, $0x0  }
0x5: {  	s0 =	sshll.u32 s3, $0x4;
	s7 =	smul.u32 $0x28000, s3;
	s8 =	ssub.s32 $0x2, s3  }
0x6: {  	s3 =	sadd.s32 $0x16600, s4;
	s5 =	sor.u32 s6, s0;
	s0 =	rddreg [dreg:$0x2]  }
0x7: {  	_ =	strace $0x80000047;
	s9 =	sshrl.u32 s8, $0x1;
	s5 =	smul.u32 $0x500, s5  }
0x8: {  	s7 =	sadd.s32 s7, s4;
	s8 =	ssub.s32 s8, s9;
	s9 =	simm.s32 $0x80  }
0x9: {  	s6 =	smax.u32 s8, $0x1;
	s8 =	sshrl.u32 @!p0 s1, $0x3;
	s5 =	sadd.s32 s5, s4  }
0xa: {  	v0 =	vimm.f32 $1.000000000e+00;
	s4 =	sadd.s32 $0xC600, s5;
	s5 =	sadd.s32 $0x3E600, s7;
	s7 =	simm.s32 $0x1  }
.LBB2_1:
0xb: {  	[tilespmem:s2], [sflag:$0x1] =	stream.linear.gather [hbm4b:s4+s2], $0x2800, $0x38;
	[tilespmem:$0x9000] =	vst v63  }
0xc: {  	_ =	swait.ge [sflag:s7], $0x2800  }
0xd: {  	[sflag:s7] =	ssyncset.done $0x0  }
0xe: {  	s12 =	simm.s32 $0x200;
	s13 =	simm.s32 $0x0;
	[sflag:s7] =	ssyncadd.s32 $0xFFFFD800  }
.LBB2_2:
0xf: {  	p1 =	sne.s32 s12, $0xFE00;
	[tilespmem:s13+$0x2800] =	vst v0;
	s13 =	smov.u32 s12;
	s12 =	sadd.s32 $0x200, s12  }
.Ltmp0:
0x10: {  	(pc) =	sbr.rel @p1 .LBB2_2-.Ltmp0, $2  }
0x11: {  	_ =	sdelay $0x2  }
0x12: {  	s13 =	sshra.s32 s13, $0x2  }
0x13: {  	[tilespmem:s13+$0x2800] =	vst v0;
	s12 =	simm.s32 @!p0 $0x1C01  }
0x14: {  	[spmem:s8], [sflag:s12] =	dma.local @!p0 [hbm:s3], $0x28000  }
0x15: {  	s12 =	simm.s32 @!p0 $0x1  }
0x16: {  	_ =	swait.ge @!p0 [sflag:s12], $0x28000  }
0x17: {  	[sflag:s12] =	ssyncset.done @!p0 $0x0  }
0x18: {  	[sflag:s12] =	ssyncadd.s32 @!p0 $0xFFFD8000  }
0x19: {  	s31 =	simm.s32 $0x0;
	[bflag:$0x0] =	sbarrier.arrive $0xFFFF  }
0x1a: {  	[spmem:s1] =	stream.indirect.scatter.add.f32 [tilespmem:s10], [sflag:$0x1], $0x10, s31, s9, $0xb8;
	[tilespmem:$0x9000] =	vst v63  }
0x1b: {  	_ =	swait.ge [sflag:s7], $0x800  }
0x1c: {  	s12 =	simm.s32 $0x200;
	[sflag:s7] =	ssyncset.done $0x0  }
.LBB2_4:
0x1d: {  	s13 =	sshra.s32 s12, $0x2;
	[sflag:s7] =	ssyncadd.s32 $0xFFFFF800;
	p1 =	sne.s32 s12, $0x9E00  }
0x1e: {  	[spmem:s1] =	stream.indirect.scatter.add.f32 [tilespmem:s10], [sflag:$0x1], $0x10, s13, s9, $0xb8;
	[tilespmem:$0x9000] =	vst v63  }
.Ltmp1:
0x1f: {  	_ = 	snop;
	(pc) =	sbr.rel @p1 .LBB2_4-.Ltmp1, $4  }
0x20: {  	_ = 	snop  }
0x21: {  	s12 =	sadd.s32 $0x200, s12  }
0x22: {  	_ =	swait.ge [sflag:s7], $0x800  }
0x23: {  	[sflag:s7] =	ssyncset.done $0x0  }
0x24: {  	[sflag:s7] =	ssyncadd.s32 $0xFFFFF800;
	s11 =	sadd.s32 $0x1, s11  }
0x25: {  	s12 =	simm.s32 @!p0 $0x1C01;
	[bflag:$0x0] =	sbarrier.arrive $0xFFFF;
	p1 =	sne.s32 s11, s6  }
0x26: {  	[hbm:s5], [sflag:s12] =	dma.local @!p0 [spmem:s8], $0x28000  }
.Ltmp2:
0x27: {  	_ = 	snop;
	(pc) =	sbr.rel @p1 .LBB2_1-.Ltmp2, $4  }
0x28: {  	s12 =	simm.s32 @!p0 $0x1  }
0x29: {  	_ =	swait.ge @!p0 [sflag:s12], $0x28000  }
0x2a: {  	[sflag:s12] =	ssyncset.done @!p0 $0x0  }
0x2b: {  	[sflag:s12] =	ssyncadd.s32 @!p0 $0xFFFD8000  }
0x2c: {  	_ =	sfence.sel $0x180000  }
0x2d: {  	[bflag:$0x0] =	sbarrier.arrive $0xFFFF  }
0x2e: {  	_ =	strace $0x90000047  }
0x2f: {  	s0 =	sadd.s32 @!p0 $0x100000, s0;
	[bflag:$0x2] =	sbarrier.arrive $0xFFFF  }
0x30: {  	[sflag:s0] =	ssyncadd.tile.s32 @!p0 $0x1;
	_ =	shalt  }
.Lfunc_end2:
_tile_overlayer_lowered:
.L_overlay_start_2:
0x31: {  	(tag) =	ssettag $0x2  }
0x32: {  	s0 =	rddreg [dreg:$0x0];
	s2 =	stileid.u32  }
0x33: {  	s1 =	rddreg [dreg:$0x1];
	p0 =	sne.s32 s2, $0x0  }
0x34: {  	s3 =	rddreg [dreg:$0x2];
	[bflag:$0x3] =	sbarrier.arrive $0xFFFF;
	s2 =	simm.s32 @!p0 $0x1C01  }
0x35: {  	[timem:s3], [sflag:s2] =	dma.local @!p0 [hbm:s0], s1  }
0x36: {  	s0 =	simm.s32 @!p0 $0x1  }
0x37: {  	_ =	swait.ge @!p0 [sflag:s0], s1  }
0x38: {  	s1 =	ssub.s32 @!p0 $0x0, s1;
	[sflag:s0] =	ssyncset.done @!p0 $0x0  }
0x39: {  	[sflag:s0] =	ssyncadd.s32 @!p0 s1  }
0x3a: {  	[bflag:$0x3] =	sbarrier.arrive $0xFFFF  }
0x3b: {  	_ =	shalt  }

</sc_bundles>
